<compile_context>
chip_gen: v7x
topology: tpu7x:2x2x1
jax: 0.10.2.dev20260603
libtpu: 0.0.44.dev20260713+nightly
codegen_flags: <defaults>
</compile_context>

<pallas_src>
import functools

import jax
import jax.numpy as jnp
from jax import lax
from jax.experimental import pallas as pl
from jax.experimental.pallas import tpu as pltpu
from jax.experimental.pallas import tpu_sc as plsc

NB = 256
NC = 2
NS = 16
NW = NC * NS
L = 16


def _minmax_body(x_ref, min_ref, max_ref):
    first = (pl.program_id(0) == 0) & (pl.program_id(1) == 0)
    xb = x_ref[...]
    bmin = jnp.min(xb)
    bmax = jnp.max(xb)

    @pl.when(first)
    def _():
        min_ref[...] = jnp.reshape(bmin, (1, 1))
        max_ref[...] = jnp.reshape(bmax, (1, 1))

    @pl.when(jnp.logical_not(first))
    def _():
        min_ref[...] = jnp.minimum(min_ref[...], bmin)
        max_ref[...] = jnp.maximum(max_ref[...], bmax)


def _minmax(x2d):
    n, m = x2d.shape
    rpb, cpb = 8, m // 2
    return pl.pallas_call(
        _minmax_body,
        grid=(n // rpb, m // cpb),
        in_specs=[pl.BlockSpec((rpb, cpb), lambda i, j: (i, j))],
        out_specs=[
            pl.BlockSpec((1, 1), lambda i, j: (0, 0)),
            pl.BlockSpec((1, 1), lambda i, j: (0, 0)),
        ],
        out_shape=[
            jax.ShapeDtypeStruct((1, 1), jnp.float32),
            jax.ShapeDtypeStruct((1, 1), jnp.float32),
        ],
    )(x2d)


def _sc_hist(x2d, inv16, min16, elo, ehi):
    n, m = x2d.shape
    chunk = m // NW
    mesh = plsc.VectorSubcoreMesh(core_axis_name="c", subcore_axis_name="s")

    @functools.partial(
        pl.kernel,
        mesh=mesh,
        compiler_params=pltpu.CompilerParams(needs_layout_passes=False),
        out_type=jax.ShapeDtypeStruct((NW, n, NB), jnp.float32),
        scratch_types=[
            pltpu.VMEM((chunk,), jnp.float32),
            pltpu.VMEM((L * NB,), jnp.float32),
            pltpu.VMEM((n, NB), jnp.float32),
            pltpu.VMEM((L,), jnp.float32),
            pltpu.VMEM((L,), jnp.float32),
            pltpu.VMEM((NB,), jnp.float32),
            pltpu.VMEM((NB,), jnp.float32),
        ],
    )
    def hist_kernel(x_hbm, inv_hbm, min_hbm, elo_hbm, ehi_hbm, out_hbm,
                    xbuf, hist, outbuf, inv_v, minv_v, elo_v, ehi_v):
        c = lax.axis_index("c")
        s = lax.axis_index("s")
        wid = s * NC + c
        base = wid * chunk

        pltpu.sync_copy(inv_hbm, inv_v)
        pltpu.sync_copy(min_hbm, minv_v)
        pltpu.sync_copy(elo_hbm, elo_v)
        pltpu.sync_copy(ehi_hbm, ehi_v)
        inv = inv_v[...]
        minv = minv_v[...]
        lanebase = lax.iota(jnp.int32, L) * NB
        ones = jnp.ones((L,), jnp.float32)
        zeros = jnp.zeros((L,), jnp.float32)

        def _zero(j, _):
            hist[pl.ds(j * L, L)] = zeros
            return 0

        lax.fori_loop(0, (L * NB) // L, _zero, 0)

        def _row(r, _):
            pltpu.sync_copy(x_hbm.at[r, pl.ds(base, chunk)], xbuf)

            def _elems(i, _):
                v = xbuf[pl.ds(i * L, L)]
                k0 = ((v - minv) * inv).astype(jnp.int32)
                k0 = jnp.minimum(k0, NB - 1)
                e_lo = plsc.load_gather(elo_v, [k0])
                e_hi = plsc.load_gather(ehi_v, [k0])
                b = k0 + (v >= e_hi).astype(jnp.int32) - (v < e_lo).astype(jnp.int32)
                plsc.addupdate_scatter(hist, [b + lanebase], ones)
                return 0

            lax.fori_loop(0, chunk // L, _elems, 0)

            def _reduce(j, _):
                def _lane(l, acc):
                    off = l * NB + j * L
                    val = hist[pl.ds(off, L)]
                    hist[pl.ds(off, L)] = zeros
                    return acc + val

                acc = lax.fori_loop(0, L, _lane, zeros)
                outbuf[r, pl.ds(j * L, L)] = acc
                return 0

            lax.fori_loop(0, NB // L, _reduce, 0)
            return 0

        lax.fori_loop(0, n, _row, 0)
        pltpu.sync_copy(outbuf, out_hbm.at[wid])

    return hist_kernel(x2d, inv16, min16, elo, ehi)


def _csum(a):
    n, nb = a.shape
    c = a
    s = 1
    while s < nb:
        z = jnp.zeros((n, s), jnp.float32)
        c = c + jnp.concatenate([z, c[:, :-s]], axis=1)
        s *= 2
    return c


def _otsu_body(p_ref, min_ref, max_ref, thr_ref):
    n = thr_ref.shape[0]
    hist = jnp.sum(p_ref[...], axis=0)
    hs = jnp.sum(hist, axis=1, keepdims=True)
    hn = hist / hs
    binv = lax.broadcasted_iota(jnp.int32, (n, NB), 1).astype(jnp.float32)
    hb = hn * binv
    cw = _csum(hn)
    cs = _csum(hb)
    tw = jnp.sum(hn, axis=1, keepdims=True)
    ts = jnp.sum(hb, axis=1, keepdims=True)
    wbg = cw
    sbg = cs
    wfg = tw - wbg
    sfg = ts - sbg
    mbg = jnp.where(wbg > 0, sbg / jnp.where(wbg > 0, wbg, 1.0), 0.0)
    mfg = jnp.where(wfg > 0, sfg / jnp.where(wfg > 0, wfg, 1.0), 0.0)
    valid = (wbg > 0) & (wfg > 0)
    var = jnp.where(valid, wbg * wfg * (mbg - mfg) ** 2, -1.0)
    col = lax.broadcasted_iota(jnp.int32, (n, NB), 1)
    var = jnp.where(col == NB - 1, -1.0, var)
    mv = jnp.max(var, axis=1, keepdims=True)
    tmax = jnp.min(jnp.where(var == mv, col, NB), axis=1, keepdims=True)
    minv = min_ref[...]
    maxv = max_ref[...]
    edge = minv + (tmax.astype(jnp.float32) + 1.0) * (maxv - minv) / (NB - 1.0)
    best = jnp.where(mv > 0, edge, 0.0)
    thr_ref[...] = jnp.broadcast_to(best, (n, NB))


def _otsu(partials, min_v, max_v):
    nw, n, nb = partials.shape
    return pl.pallas_call(
        _otsu_body,
        in_specs=[
            pl.BlockSpec((nw, n, nb), lambda: (0, 0, 0)),
            pl.BlockSpec((1, 1), lambda: (0, 0)),
            pl.BlockSpec((1, 1), lambda: (0, 0)),
        ],
        out_specs=pl.BlockSpec((n, nb), lambda: (0, 0)),
        out_shape=jax.ShapeDtypeStruct((n, nb), jnp.float32),
    )(partials, min_v, max_v)


def _apply_body(x_ref, t_ref, o_ref):
    xb = x_ref[...]
    t = t_ref[:, 0:1]
    o_ref[...] = jnp.where(xb > t, xb, 0.0)


def _apply(x2d, thr):
    n, m = x2d.shape
    rpb, cpb = 8, m // 2
    return pl.pallas_call(
        _apply_body,
        grid=(n // rpb, m // cpb),
        in_specs=[
            pl.BlockSpec((rpb, cpb), lambda i, j: (i, j)),
            pl.BlockSpec((rpb, NB), lambda i, j: (i, 0)),
        ],
        out_specs=pl.BlockSpec((rpb, cpb), lambda i, j: (i, j)),
        out_shape=jax.ShapeDtypeStruct((n, m), jnp.float32),
    )(x2d, thr)


def kernel(x, nbins):
    b, c, h, w = x.shape
    n = b * c
    m = h * w
    x2d = x.reshape(n, m)
    min_v, max_v = _minmax(x2d)
    min_s = min_v[0, 0]
    width = max_v[0, 0] - min_s
    nf = jnp.asarray(nbins, jnp.float32)

    kf = jnp.arange(NB + 1, dtype=jnp.float32)
    edge = min_s + width * (kf / nf)

    def _pos(v):
        return (v - min_s) / width * nf

    for _ in range(12):
        edge = jnp.where(_pos(edge) >= kf, jnp.nextafter(edge, -jnp.inf), edge)
    for _ in range(12):
        edge = jnp.where(_pos(edge) < kf, jnp.nextafter(edge, jnp.inf), edge)
    elo = edge[:NB]
    ehi = jnp.concatenate([edge[1:NB], jnp.full((1,), jnp.inf, jnp.float32)])

    inv16 = jnp.broadcast_to(nf / width, (L,))
    min16 = jnp.broadcast_to(min_s, (L,))
    partials = _sc_hist(x2d, inv16, min16, elo, ehi)
    thr = _otsu(partials, min_v, max_v)
    out2d = _apply(x2d, thr)
    return out2d.reshape(x.shape), thr[:, 0]

# --- scband reference (transcript-rebuilt; emitter-appended) ---
"""Pipeline reference for scband-otsu-threshold-1382979469334 (READ-ONLY COPY).

The authoritative reference and input builder live on the scoring server;
editing this copy changes nothing except your own understanding.
"""

import jax, jax.numpy as jnp
import numpy as np


def setup_inputs(seed: int = 0) -> dict:
    key = jax.random.key(seed)
    x = jax.random.uniform(key, (16, 3, 512, 512), dtype=jnp.float32)
    return {"x": x, "nbins": 256}


def reference(x, nbins):
    orig_shape = x.shape
    b, c, h, w = x.shape
    xf = x.reshape(b * c, h * w)
    n = xf.shape[0]
    min_val = xf.min()
    max_val = xf.max()
    nbins_static = 256
    bin_edges = jnp.linspace(min_val, max_val, nbins_static)
    # torch.histc semantics: nbins equal-width bins over [min, max], max value lands in last bin
    width = max_val - min_val
    pos = (xf - min_val) / width * nbins
    idx = jnp.clip(jnp.floor(pos), 0, nbins - 1).astype(jnp.int32)
    hist = jnp.zeros((n, nbins_static), jnp.float32).at[jnp.arange(n)[:, None], idx].add(1.0)
    hist = hist / hist.sum(axis=1, keepdims=True)
    bin_values = jnp.arange(nbins_static, dtype=jnp.float32)
    total_weight = jnp.sum(hist, axis=1)
    total_sum = jnp.sum(hist * bin_values, axis=1)
    cumsum_weight = jnp.cumsum(hist, axis=1)
    cumsum_sum = jnp.cumsum(hist * bin_values, axis=1)
    weight_bg = cumsum_weight[:, :-1]
    sum_bg = cumsum_sum[:, :-1]
    weight_fg = total_weight[:, None] - weight_bg
    sum_fg = total_sum[:, None] - sum_bg
    mean_bg = jnp.where(weight_bg > 0, sum_bg / jnp.where(weight_bg > 0, weight_bg, 1.0), 0.0)
    mean_fg = jnp.where(weight_fg > 0, sum_fg / jnp.where(weight_fg > 0, weight_fg, 1.0), 0.0)
    valid = (weight_bg > 0) & (weight_fg > 0)
    inter_class_var = jnp.where(valid, weight_bg * weight_fg * (mean_bg - mean_fg) ** 2, -1.0)
    t_max = jnp.argmax(inter_class_var, axis=1)
    max_var = jnp.take_along_axis(inter_class_var, t_max[:, None], axis=1).squeeze(1)
    best_thresholds = jnp.where(max_var > 0, bin_edges[t_max + 1], 0.0).astype(x.dtype)
    thresholded = (xf > best_thresholds[:, None]).astype(x.dtype) * xf
    thresholded = thresholded.reshape(orig_shape)
    return thresholded, best_thresholds

if __name__ == "__main__":
    import jax
    _d = setup_inputs()
    print(jax.jit(kernel)(*tuple(_d.values())))

</pallas_src>

<mosaic_0001>
#map = affine_map<(d0, d1) -> (0, 0)>
#map1 = affine_map<(d0, d1) -> (0)>
#map2 = affine_map<(d0, d1) -> (0, 0, 0)>
module attributes {stable_mosaic.version = 14 : i64} {
  func.func @hist_kernel(%arg0: i32, %arg1: i32, %arg2: memref<48x262144xf32, #tpu.memory_space<hbm>>, %arg3: memref<16xf32, #tpu.memory_space<hbm>>, %arg4: memref<16xf32, #tpu.memory_space<hbm>>, %arg5: memref<256xf32, #tpu.memory_space<hbm>>, %arg6: memref<256xf32, #tpu.memory_space<hbm>>, %arg7: memref<32x48x256xf32, #tpu.memory_space<hbm>>, %arg8: memref<8192xf32, #tpu.memory_space<vmem>>, %arg9: memref<4096xf32, #tpu.memory_space<vmem>>, %arg10: memref<48x256xf32, #tpu.memory_space<vmem>>, %arg11: memref<16xf32, #tpu.memory_space<vmem>>, %arg12: memref<16xf32, #tpu.memory_space<vmem>>, %arg13: memref<256xf32, #tpu.memory_space<vmem>>, %arg14: memref<256xf32, #tpu.memory_space<vmem>>) attributes {dimension_semantics = [#tpu.dimension_semantics<core_parallel>, #tpu.dimension_semantics<subcore_parallel>], iteration_bounds = array<i64: 2, 16>, scalar_prefetch = 0 : i64, scratch_operands = 7 : i64, tpu.core_type = #tpu.core_type<sc_vector_subcore>, window_params = [{transform_indices = #map}, {transform_indices = #map1}, {transform_indices = #map1}, {transform_indices = #map1}, {transform_indices = #map1}, {transform_indices = #map2}]} {
    %mul3A = arith.constant 2 : i32
    %mul3A_0 = arith.muli %arg1, %mul3A : i32
    %add3A = arith.addi %mul3A_0, %arg0 : i32
    %mul3A_1 = arith.constant 8192 : i32
    %mul3A_2 = arith.muli %add3A, %mul3A_1 : i32
    "tpu.region"() ({
      %run_scoped3A = tpu.sem_alloc : memref<!tpu.dma_semaphore, #tpu.memory_space<semaphore_mem>>
      tpu.enqueue_dma source(%arg3 : memref<16xf32, #tpu.memory_space<hbm>>) target(%arg11 : memref<16xf32, #tpu.memory_space<vmem>>) target_semaphore(%run_scoped3A : memref<!tpu.dma_semaphore, #tpu.memory_space<semaphore_mem>>)
      tpu.wait_dma2 semaphore(%run_scoped3A : memref<!tpu.dma_semaphore, #tpu.memory_space<semaphore_mem>>) src(%arg3 : memref<16xf32, #tpu.memory_space<hbm>>) dst(%arg11 : memref<16xf32, #tpu.memory_space<vmem>>)
      tpu.yield
    }) : () -> ()
    "tpu.region"() ({
      %run_scoped3A = tpu.sem_alloc : memref<!tpu.dma_semaphore, #tpu.memory_space<semaphore_mem>>
      tpu.enqueue_dma source(%arg4 : memref<16xf32, #tpu.memory_space<hbm>>) target(%arg12 : memref<16xf32, #tpu.memory_space<vmem>>) target_semaphore(%run_scoped3A : memref<!tpu.dma_semaphore, #tpu.memory_space<semaphore_mem>>)
      tpu.wait_dma2 semaphore(%run_scoped3A : memref<!tpu.dma_semaphore, #tpu.memory_space<semaphore_mem>>) src(%arg4 : memref<16xf32, #tpu.memory_space<hbm>>) dst(%arg12 : memref<16xf32, #tpu.memory_space<vmem>>)
      tpu.yield
    }) : () -> ()
    "tpu.region"() ({
      %run_scoped3A = tpu.sem_alloc : memref<!tpu.dma_semaphore, #tpu.memory_space<semaphore_mem>>
      tpu.enqueue_dma source(%arg5 : memref<256xf32, #tpu.memory_space<hbm>>) target(%arg13 : memref<256xf32, #tpu.memory_space<vmem>>) target_semaphore(%run_scoped3A : memref<!tpu.dma_semaphore, #tpu.memory_space<semaphore_mem>>)
      tpu.wait_dma2 semaphore(%run_scoped3A : memref<!tpu.dma_semaphore, #tpu.memory_space<semaphore_mem>>) src(%arg5 : memref<256xf32, #tpu.memory_space<hbm>>) dst(%arg13 : memref<256xf32, #tpu.memory_space<vmem>>)
      tpu.yield
    }) : () -> ()
    "tpu.region"() ({
      %run_scoped3A = tpu.sem_alloc : memref<!tpu.dma_semaphore, #tpu.memory_space<semaphore_mem>>
      tpu.enqueue_dma source(%arg6 : memref<256xf32, #tpu.memory_space<hbm>>) target(%arg14 : memref<256xf32, #tpu.memory_space<vmem>>) target_semaphore(%run_scoped3A : memref<!tpu.dma_semaphore, #tpu.memory_space<semaphore_mem>>)
      tpu.wait_dma2 semaphore(%run_scoped3A : memref<!tpu.dma_semaphore, #tpu.memory_space<semaphore_mem>>) src(%arg6 : memref<256xf32, #tpu.memory_space<hbm>>) dst(%arg14 : memref<256xf32, #tpu.memory_space<vmem>>)
      tpu.yield
    }) : () -> ()
    %get3A = arith.constant 0 : index
    %get3A_3 = tpu.vector_load %arg11[%get3A] {strides = array<i32>} : memref<16xf32, #tpu.memory_space<vmem>>, vector<16xf32>,
    %get3A_4 = arith.constant 0 : index
    %get3A_5 = tpu.vector_load %arg12[%get3A_4] {strides = array<i32>} : memref<16xf32, #tpu.memory_space<vmem>>, vector<16xf32>,
    %iota3A = tpu.iota {dimensions = array<i32: 0>} : vector<16xi32>
    %mul3A_6 = arith.constant 256 : i32
    %mul3A_7 = vector.broadcast %mul3A_6 : i32 to vector<16xi32>
    %mul3A_8 = arith.muli %iota3A, %mul3A_7 : vector<16xi32>
    %broadcast_in_dim3A = arith.constant 1.000000e+00 : f32
    %broadcast_in_dim3A_9 = vector.broadcast %broadcast_in_dim3A : f32 to vector<16xf32>
    %broadcast_in_dim3A_10 = arith.constant 0.000000e+00 : f32
    %broadcast_in_dim3A_11 = vector.broadcast %broadcast_in_dim3A_10 : f32 to vector<16xf32>
    %scan3A = arith.constant 0 : i32
    %scan3A_12 = arith.constant 0 : i32
    %scan3A_13 = arith.constant 256 : i32
    %scan3A_14 = arith.addi %scan3A_12, %scan3A_13 : i32
    %scan3A_15 = arith.constant 1 : i32
    %scan3A_16 = scf.for %scan3A_25 = %scan3A_12 to %scan3A_14 step %scan3A_15 iter_args(%scan3A_26 = %scan3A) -> (i32)  : i32 {
      %mul3A_27 = arith.constant 16 : i32
      %mul3A_28 = arith.muli %scan3A_25, %mul3A_27 : i32
      %swap3A = arith.index_cast %mul3A_28 : i32 to index
      %swap3A_29 = tpu.vector_load %arg9[%swap3A] {strides = array<i32>} : memref<4096xf32, #tpu.memory_space<vmem>>, vector<16xf32>,
      tpu.vector_store %arg9[%swap3A], %broadcast_in_dim3A_11 {strides = array<i32>} : memref<4096xf32, #tpu.memory_space<vmem>>, vector<16xf32>,
      %scan3A_30 = arith.constant 0 : i32
      scf.yield %scan3A_30 : i32
    }
    %scan3A_17 = arith.constant 256 : i32
    %scan3A_18 = arith.constant 0 : i32
    %scan3A_19 = arith.constant 0 : i32
    %scan3A_20 = arith.constant 48 : i32
    %scan3A_21 = arith.addi %scan3A_19, %scan3A_20 : i32
    %scan3A_22 = arith.constant 1 : i32
    %scan3A_23 = scf.for %scan3A_25 = %scan3A_19 to %scan3A_21 step %scan3A_22 iter_args(%scan3A_26 = %scan3A_18) -> (i32)  : i32 {
      "tpu.region"() ({
        %run_scoped3A = tpu.sem_alloc : memref<!tpu.dma_semaphore, #tpu.memory_space<semaphore_mem>>
        %dma_start3A = tpu.memref_slice %arg2[%scan3A_25, %mul3A_2] : memref<48x262144xf32, #tpu.memory_space<hbm>> -> memref<1x8192xf32, #tpu.memory_space<hbm>>
        %dma_start3A_42 = tpu.memref_squeeze %dma_start3A : memref<1x8192xf32, #tpu.memory_space<hbm>> -> memref<8192xf32, #tpu.memory_space<hbm>>
        %dma_start3A_43 = tpu.memref_slice %arg2[%scan3A_25, %mul3A_2] : memref<48x262144xf32, #tpu.memory_space<hbm>> -> memref<1x8192xf32, #tpu.memory_space<hbm>>
        %dma_start3A_44 = tpu.memref_squeeze %dma_start3A_43 : memref<1x8192xf32, #tpu.memory_space<hbm>> -> memref<8192xf32, #tpu.memory_space<hbm>>
        tpu.enqueue_dma source(%dma_start3A_44 : memref<8192xf32, #tpu.memory_space<hbm>>) target(%arg8 : memref<8192xf32, #tpu.memory_space<vmem>>) target_semaphore(%run_scoped3A : memref<!tpu.dma_semaphore, #tpu.memory_space<semaphore_mem>>)
        %dma_wait3A = tpu.memref_slice %arg2[%scan3A_25, %mul3A_2] : memref<48x262144xf32, #tpu.memory_space<hbm>> -> memref<1x8192xf32, #tpu.memory_space<hbm>>
        %dma_wait3A_45 = tpu.memref_squeeze %dma_wait3A : memref<1x8192xf32, #tpu.memory_space<hbm>> -> memref<8192xf32, #tpu.memory_space<hbm>>
        %dma_wait3A_46 = tpu.memref_slice %arg2[%scan3A_25, %mul3A_2] : memref<48x262144xf32, #tpu.memory_space<hbm>> -> memref<1x8192xf32, #tpu.memory_space<hbm>>
        %dma_wait3A_47 = tpu.memref_squeeze %dma_wait3A_46 : memref<1x8192xf32, #tpu.memory_space<hbm>> -> memref<8192xf32, #tpu.memory_space<hbm>>
        tpu.wait_dma2 semaphore(%run_scoped3A : memref<!tpu.dma_semaphore, #tpu.memory_space<semaphore_mem>>) src(%dma_wait3A_47 : memref<8192xf32, #tpu.memory_space<hbm>>) dst(%arg8 : memref<8192xf32, #tpu.memory_space<vmem>>)
        tpu.yield
      }) : () -> ()
      %scan3A_27 = arith.constant 0 : i32
      %scan3A_28 = arith.constant 0 : i32
      %scan3A_29 = arith.constant 512 : i32
      %scan3A_30 = arith.addi %scan3A_28, %scan3A_29 : i32
      %scan3A_31 = arith.constant 1 : i32
      %scan3A_32 = scf.for %scan3A_42 = %scan3A_28 to %scan3A_30 step %scan3A_31 iter_args(%scan3A_43 = %scan3A_27) -> (i32)  : i32 {
        %mul3A_44 = arith.constant 16 : i32
        %mul3A_45 = arith.muli %scan3A_42, %mul3A_44 : i32
        %get3A_46 = arith.index_cast %mul3A_45 : i32 to index
        %get3A_47 = tpu.vector_load %arg8[%get3A_46] {strides = array<i32>} : memref<8192xf32, #tpu.memory_space<vmem>>, vector<16xf32>,
        %sub3A = arith.subf %get3A_47, %get3A_5 : vector<16xf32>
        %mul3A_48 = arith.mulf %sub3A, %get3A_3 : vector<16xf32>
        %convert_element_type3A = arith.fptosi %mul3A_48 : vector<16xf32> to vector<16xi32>
        %min3A = arith.constant 255 : i32
        %min3A_49 = vector.broadcast %min3A : i32 to vector<16xi32>
        %min3A_50 = arith.minsi %convert_element_type3A, %min3A_49 : vector<16xi32>
        %gather3A = tpu.vector_load_idx %arg13[%min3A_50] : memref<256xf32, #tpu.memory_space<vmem>>[vector<16xi32>], vector<16xf32>,
        %gather3A_51 = tpu.vector_load_idx %arg14[%min3A_50] : memref<256xf32, #tpu.memory_space<vmem>>[vector<16xi32>], vector<16xf32>,
        %ge3A = arith.cmpf oge, %get3A_47, %gather3A_51 : vector<16xf32>
        %convert_element_type3A_52 = arith.extui %ge3A : vector<16xi1> to vector<16xi32>
        %add3A_53 = arith.addi %min3A_50, %convert_element_type3A_52 : vector<16xi32>
        %lt3A = arith.cmpf olt, %get3A_47, %gather3A : vector<16xf32>
        %convert_element_type3A_54 = arith.extui %lt3A : vector<16xi1> to vector<16xi32>
        %sub3A_55 = arith.subi %add3A_53, %convert_element_type3A_54 : vector<16xi32>
        %add3A_56 = arith.addi %sub3A_55, %mul3A_8 : vector<16xi32>
        tpu.vector_store_idx %arg9[%add3A_56], %broadcast_in_dim3A_9 {add = true} : memref<4096xf32, #tpu.memory_space<vmem>>[vector<16xi32>], vector<16xf32>,
        %scan3A_57 = arith.constant 0 : i32
        scf.yield %scan3A_57 : i32
      }
      %scan3A_33 = arith.constant 512 : i32
      %scan3A_34 = arith.constant 0 : i32
      %scan3A_35 = arith.constant 0 : i32
      %scan3A_36 = arith.constant 16 : i32
      %scan3A_37 = arith.addi %scan3A_35, %scan3A_36 : i32
      %scan3A_38 = arith.constant 1 : i32
      %scan3A_39 = scf.for %scan3A_42 = %scan3A_35 to %scan3A_37 step %scan3A_38 iter_args(%scan3A_43 = %scan3A_34) -> (i32)  : i32 {
        %scan3A_44 = arith.constant 0 : i32
        %scan3A_45 = arith.constant 16 : i32
        %scan3A_46 = arith.addi %scan3A_44, %scan3A_45 : i32
        %scan3A_47 = arith.constant 1 : i32
        %scan3A_48 = scf.for %scan3A_55 = %scan3A_44 to %scan3A_46 step %scan3A_47 iter_args(%scan3A_56 = %broadcast_in_dim3A_11) -> (vector<16xf32>)  : i32 {
          %mul3A_57 = arith.constant 256 : i32
          %mul3A_58 = arith.muli %scan3A_55, %mul3A_57 : i32
          %mul3A_59 = arith.constant 16 : i32
          %mul3A_60 = arith.muli %scan3A_42, %mul3A_59 : i32
          %add3A_61 = arith.addi %mul3A_58, %mul3A_60 : i32
          %get3A_62 = arith.index_cast %add3A_61 : i32 to index
          %get3A_63 = tpu.vector_load %arg9[%get3A_62] {strides = array<i32>} : memref<4096xf32, #tpu.memory_space<vmem>>, vector<16xf32>,
          %swap3A_64 = arith.index_cast %add3A_61 : i32 to index
          %swap3A_65 = tpu.vector_load %arg9[%swap3A_64] {strides = array<i32>} : memref<4096xf32, #tpu.memory_space<vmem>>, vector<16xf32>,
          tpu.vector_store %arg9[%swap3A_64], %broadcast_in_dim3A_11 {strides = array<i32>} : memref<4096xf32, #tpu.memory_space<vmem>>, vector<16xf32>,
          %add3A_66 = arith.addf %scan3A_56, %get3A_63 : vector<16xf32>
          scf.yield %add3A_66 : vector<16xf32>
        }
        %scan3A_49 = arith.constant 16 : i32
        %mul3A_50 = arith.constant 16 : i32
        %mul3A_51 = arith.muli %scan3A_42, %mul3A_50 : i32
        %swap3A = arith.index_cast %scan3A_25 : i32 to index
        %swap3A_52 = arith.index_cast %mul3A_51 : i32 to index
        %swap3A_53 = tpu.vector_load %arg10[%swap3A, %swap3A_52] {strides = array<i32>} : memref<48x256xf32, #tpu.memory_space<vmem>>, vector<16xf32>,
        tpu.vector_store %arg10[%swap3A, %swap3A_52], %scan3A_48 {strides = array<i32>} : memref<48x256xf32, #tpu.memory_space<vmem>>, vector<16xf32>,
        %scan3A_54 = arith.constant 0 : i32
        scf.yield %scan3A_54 : i32
      }
      %scan3A_40 = arith.constant 16 : i32
      %scan3A_41 = arith.constant 0 : i32
      scf.yield %scan3A_41 : i32
    }
    %scan3A_24 = arith.constant 48 : i32
    "tpu.region"() ({
      %run_scoped3A = tpu.sem_alloc : memref<!tpu.dma_semaphore, #tpu.memory_space<semaphore_mem>>
      %dma_start3A = arith.constant 0 : i32
      %dma_start3A_25 = arith.constant 0 : i32
      %dma_start3A_26 = tpu.memref_slice %arg7[%add3A, %dma_start3A, %dma_start3A_25] : memref<32x48x256xf32, #tpu.memory_space<hbm>> -> memref<1x48x256xf32, #tpu.memory_space<hbm>>
      %dma_start3A_27 = tpu.memref_squeeze %dma_start3A_26 : memref<1x48x256xf32, #tpu.memory_space<hbm>> -> memref<48x256xf32, #tpu.memory_space<hbm>>
      %dma_start3A_28 = arith.constant 0 : i32
      %dma_start3A_29 = arith.constant 0 : i32
      %dma_start3A_30 = tpu.memref_slice %arg7[%add3A, %dma_start3A_28, %dma_start3A_29] : memref<32x48x256xf32, #tpu.memory_space<hbm>> -> memref<1x48x256xf32, #tpu.memory_space<hbm>>
      %dma_start3A_31 = tpu.memref_squeeze %dma_start3A_30 : memref<1x48x256xf32, #tpu.memory_space<hbm>> -> memref<48x256xf32, #tpu.memory_space<hbm>>
      tpu.enqueue_dma source(%arg10 : memref<48x256xf32, #tpu.memory_space<vmem>>) target(%dma_start3A_31 : memref<48x256xf32, #tpu.memory_space<hbm>>) target_semaphore(%run_scoped3A : memref<!tpu.dma_semaphore, #tpu.memory_space<semaphore_mem>>)
      %dma_wait3A = arith.constant 0 : i32
      %dma_wait3A_32 = arith.constant 0 : i32
      %dma_wait3A_33 = tpu.memref_slice %arg7[%add3A, %dma_wait3A, %dma_wait3A_32] : memref<32x48x256xf32, #tpu.memory_space<hbm>> -> memref<1x48x256xf32, #tpu.memory_space<hbm>>
      %dma_wait3A_34 = tpu.memref_squeeze %dma_wait3A_33 : memref<1x48x256xf32, #tpu.memory_space<hbm>> -> memref<48x256xf32, #tpu.memory_space<hbm>>
      %dma_wait3A_35 = arith.constant 0 : i32
      %dma_wait3A_36 = arith.constant 0 : i32
      %dma_wait3A_37 = tpu.memref_slice %arg7[%add3A, %dma_wait3A_35, %dma_wait3A_36] : memref<32x48x256xf32, #tpu.memory_space<hbm>> -> memref<1x48x256xf32, #tpu.memory_space<hbm>>
      %dma_wait3A_38 = tpu.memref_squeeze %dma_wait3A_37 : memref<1x48x256xf32, #tpu.memory_space<hbm>> -> memref<48x256xf32, #tpu.memory_space<hbm>>
      tpu.wait_dma2 semaphore(%run_scoped3A : memref<!tpu.dma_semaphore, #tpu.memory_space<semaphore_mem>>) src(%arg10 : memref<48x256xf32, #tpu.memory_space<vmem>>) dst(%dma_wait3A_38 : memref<48x256xf32, #tpu.memory_space<hbm>>)
      tpu.yield
    }) : () -> ()
    return
  }
}

module attributes {stable_mosaic.version = 14 : i64} {
  func.func @_minmax_body(%arg0: i32, %arg1: i32, %arg2: memref<8x131072xf32, #tpu.memory_space<vmem>>, %arg3: memref<1x1xf32, #tpu.memory_space<vmem>>, %arg4: memref<1x1xf32, #tpu.memory_space<vmem>>) attributes {dimension_semantics = [#tpu.dimension_semantics<arbitrary>, #tpu.dimension_semantics<arbitrary>], iteration_bounds = array<i64: 6, 2>, scalar_prefetch = 0 : i64, scratch_operands = 0 : i64, tpu.core_type = #tpu.core_type<tc>, window_params = [{transform_indices = @transform_0, window_bounds = array<i64: 8, 131072>}, {pipeline_mode = #tpu.pipeline_mode<synchronous>, transform_indices = @transform_1, window_bounds = array<i64: 1, 1>}, {pipeline_mode = #tpu.pipeline_mode<synchronous>, transform_indices = @transform_2, window_bounds = array<i64: 1, 1>}]} {
    %eq3A = arith.constant 0 : i32
    %eq3A_0 = arith.cmpi eq, %arg0, %eq3A : i32
    %eq3A_1 = arith.constant 0 : i32
    %eq3A_2 = arith.cmpi eq, %arg1, %eq3A_1 : i32
    %and3A = arith.andi %eq3A_0, %eq3A_2 : i1
    %get3A = arith.constant 0 : index
    %get3A_3 = arith.constant 0 : index
    %get3A_4 = vector.load %arg2[%get3A, %get3A_3] : memref<8x131072xf32, #tpu.memory_space<vmem>>, vector<8x131072xf32>
    %reduce_min3A = vector.shape_cast %get3A_4 : vector<8x131072xf32> to vector<1x8x131072xf32>
    %reduce_min3A_5 = arith.constant dense<0x7F800000> : vector<1xf32>
    %reduce_min3A_6 = vector.multi_reduction <minimumf>, %reduce_min3A, %reduce_min3A_5 [1, 2] : vector<1x8x131072xf32> to vector<1xf32>
    %reduce_min3A_7 = vector.shape_cast %reduce_min3A_6 : vector<1xf32> to vector<1x1x1xf32>
    %reduce_min3A_8 = vector.extract %reduce_min3A_7[0, 0, 0] : f32 from vector<1x1x1xf32>
    %reduce_max3A = vector.shape_cast %get3A_4 : vector<8x131072xf32> to vector<1x8x131072xf32>
    %reduce_max3A_9 = arith.constant dense<0xFF800000> : vector<1xf32>
    %reduce_max3A_10 = vector.multi_reduction <maximumf>, %reduce_max3A, %reduce_max3A_9 [1, 2] : vector<1x8x131072xf32> to vector<1xf32>
    %reduce_max3A_11 = vector.shape_cast %reduce_max3A_10 : vector<1xf32> to vector<1x1x1xf32>
    %reduce_max3A_12 = vector.extract %reduce_max3A_11[0, 0, 0] : f32 from vector<1x1x1xf32>
    %convert_element_type3A = arith.extui %and3A : i1 to i32
    %cond3A = arith.constant 0 : i32
    %cond3A_13 = arith.cmpi ne, %convert_element_type3A, %cond3A : i32
    scf.if %cond3A_13 {
      %reshape3A = vector.broadcast %reduce_min3A_8 : f32 to vector<1x1xf32>
      %swap3A = arith.constant 0 : index
      %swap3A_18 = arith.constant 0 : index
      %swap3A_19 = vector.load %arg3[%swap3A, %swap3A_18] : memref<1x1xf32, #tpu.memory_space<vmem>>, vector<1x1xf32>
      tpu.vector_store %arg3[%swap3A, %swap3A_18], %reshape3A {strides = array<i32>} : memref<1x1xf32, #tpu.memory_space<vmem>>, vector<1x1xf32>,
      %reshape3A_20 = vector.broadcast %reduce_max3A_12 : f32 to vector<1x1xf32>
      %swap3A_21 = arith.constant 0 : index
      %swap3A_22 = arith.constant 0 : index
      %swap3A_23 = vector.load %arg4[%swap3A_21, %swap3A_22] : memref<1x1xf32, #tpu.memory_space<vmem>>, vector<1x1xf32>
      tpu.vector_store %arg4[%swap3A_21, %swap3A_22], %reshape3A_20 {strides = array<i32>} : memref<1x1xf32, #tpu.memory_space<vmem>>, vector<1x1xf32>,
    } else {
    }
    %not3A = arith.constant true
    %not3A_14 = arith.xori %and3A, %not3A : i1
    %convert_element_type3A_15 = arith.extui %not3A_14 : i1 to i32
    %cond3A_16 = arith.constant 0 : i32
    %cond3A_17 = arith.cmpi ne, %convert_element_type3A_15, %cond3A_16 : i32
    scf.if %cond3A_17 {
      %get3A_18 = arith.constant 0 : index
      %get3A_19 = arith.constant 0 : index
      %get3A_20 = vector.load %arg3[%get3A_18, %get3A_19] : memref<1x1xf32, #tpu.memory_space<vmem>>, vector<1x1xf32>
      %min3A = vector.broadcast %reduce_min3A_8 : f32 to vector<1x1xf32>
      %min3A_21 = arith.minimumf %get3A_20, %min3A : vector<1x1xf32>
      %swap3A = arith.constant 0 : index
      %swap3A_22 = arith.constant 0 : index
      %swap3A_23 = vector.load %arg3[%swap3A, %swap3A_22] : memref<1x1xf32, #tpu.memory_space<vmem>>, vector<1x1xf32>
      tpu.vector_store %arg3[%swap3A, %swap3A_22], %min3A_21 {strides = array<i32>} : memref<1x1xf32, #tpu.memory_space<vmem>>, vector<1x1xf32>,
      %get3A_24 = arith.constant 0 : index
      %get3A_25 = arith.constant 0 : index
      %get3A_26 = vector.load %arg4[%get3A_24, %get3A_25] : memref<1x1xf32, #tpu.memory_space<vmem>>, vector<1x1xf32>
      %max3A = vector.broadcast %reduce_max3A_12 : f32 to vector<1x1xf32>
      %max3A_27 = arith.maximumf %get3A_26, %max3A : vector<1x1xf32>
      %swap3A_28 = arith.constant 0 : index
      %swap3A_29 = arith.constant 0 : index
      %swap3A_30 = vector.load %arg4[%swap3A_28, %swap3A_29] : memref<1x1xf32, #tpu.memory_space<vmem>>, vector<1x1xf32>
      tpu.vector_store %arg4[%swap3A_28, %swap3A_29], %max3A_27 {strides = array<i32>} : memref<1x1xf32, #tpu.memory_space<vmem>>, vector<1x1xf32>,
    } else {
    }
    return
  }
  func.func @transform_0(%arg0: i32, %arg1: i32) -> (i32, i32) {
    %c0_i32 = arith.constant 0 : i32
    return %arg0, %arg1 : i32, i32
  }
  func.func @transform_1(%arg0: i32, %arg1: i32) -> (i32, i32) {
    %c0_i32 = arith.constant 0 : i32
    %c0_i32_0 = arith.constant 0 : i32
    %c0_i32_1 = arith.constant 0 : i32
    return %c0_i32, %c0_i32_0 : i32, i32
  }
  func.func @transform_2(%arg0: i32, %arg1: i32) -> (i32, i32) {
    %c0_i32 = arith.constant 0 : i32
    %c0_i32_0 = arith.constant 0 : i32
    %c0_i32_1 = arith.constant 0 : i32
    return %c0_i32, %c0_i32_0 : i32, i32
  }
}

module attributes {stable_mosaic.version = 14 : i64} {
  func.func @_otsu_body(%arg0: memref<32x48x256xf32, #tpu.memory_space<vmem>>, %arg1: memref<1x1xf32, #tpu.memory_space<vmem>>, %arg2: memref<1x1xf32, #tpu.memory_space<vmem>>, %arg3: memref<48x256xf32, #tpu.memory_space<vmem>>) attributes {dimension_semantics = [], scalar_prefetch = 0 : i64, scratch_operands = 0 : i64, tpu.core_type = #tpu.core_type<tc>} {
    %get3A = arith.constant 0 : index
    %get3A_0 = arith.constant 0 : index
    %get3A_1 = arith.constant 0 : index
    %get3A_2 = vector.load %arg0[%get3A, %get3A_0, %get3A_1] : memref<32x48x256xf32, #tpu.memory_space<vmem>>, vector<32x48x256xf32>
    %reduce_sum3A = arith.constant dense<0.000000e+00> : vector<48x256xf32>
    %reduce_sum3A_3 = vector.multi_reduction <add>, %get3A_2, %reduce_sum3A [0] : vector<32x48x256xf32> to vector<48x256xf32>
    %reduce_sum3A_4 = arith.constant dense<0.000000e+00> : vector<48xf32>
    %reduce_sum3A_5 = vector.multi_reduction <add>, %reduce_sum3A_3, %reduce_sum3A_4 [1] : vector<48x256xf32> to vector<48xf32>
    %broadcast_in_dim3A = vector.shape_cast %reduce_sum3A_5 : vector<48xf32> to vector<48x1xf32>
    %div3A = vector.broadcast %broadcast_in_dim3A : vector<48x1xf32> to vector<48x256xf32>
    %div3A_6 = arith.divf %reduce_sum3A_3, %div3A : vector<48x256xf32>
    %iota3A = tpu.iota {dimensions = array<i32: 1>} : vector<48x256xi32>
    %convert_element_type3A = arith.sitofp %iota3A : vector<48x256xi32> to vector<48x256xf32>
    %mul3A = arith.mulf %div3A_6, %convert_element_type3A : vector<48x256xf32>
    %broadcast_in_dim3A_7 = arith.constant 0.000000e+00 : f32
    %broadcast_in_dim3A_8 = vector.broadcast %broadcast_in_dim3A_7 : f32 to vector<48x1xf32>
    %slice3A = vector.extract_strided_slice %div3A_6 {offsets = [0, 0], sizes = [48, 255], strides = [1, 1]} : vector<48x256xf32> to vector<48x255xf32>
    %concatenate3A = tpu.concatenate %broadcast_in_dim3A_8, %slice3A in 1 : vector<48x1xf32>, vector<48x255xf32> -> vector<48x256xf32>
    %add3A = arith.addf %div3A_6, %concatenate3A : vector<48x256xf32>
    %broadcast_in_dim3A_9 = arith.constant 0.000000e+00 : f32
    %broadcast_in_dim3A_10 = vector.broadcast %broadcast_in_dim3A_9 : f32 to vector<48x2xf32>
    %slice3A_11 = vector.extract_strided_slice %add3A {offsets = [0, 0], sizes = [48, 254], strides = [1, 1]} : vector<48x256xf32> to vector<48x254xf32>
    %concatenate3A_12 = tpu.concatenate %broadcast_in_dim3A_10, %slice3A_11 in 1 : vector<48x2xf32>, vector<48x254xf32> -> vector<48x256xf32>
    %add3A_13 = arith.addf %add3A, %concatenate3A_12 : vector<48x256xf32>
    %broadcast_in_dim3A_14 = arith.constant 0.000000e+00 : f32
    %broadcast_in_dim3A_15 = vector.broadcast %broadcast_in_dim3A_14 : f32 to vector<48x4xf32>
    %slice3A_16 = vector.extract_strided_slice %add3A_13 {offsets = [0, 0], sizes = [48, 252], strides = [1, 1]} : vector<48x256xf32> to vector<48x252xf32>
    %concatenate3A_17 = tpu.concatenate %broadcast_in_dim3A_15, %slice3A_16 in 1 : vector<48x4xf32>, vector<48x252xf32> -> vector<48x256xf32>
    %add3A_18 = arith.addf %add3A_13, %concatenate3A_17 : vector<48x256xf32>
    %broadcast_in_dim3A_19 = arith.constant 0.000000e+00 : f32
    %broadcast_in_dim3A_20 = vector.broadcast %broadcast_in_dim3A_19 : f32 to vector<48x8xf32>
    %slice3A_21 = vector.extract_strided_slice %add3A_18 {offsets = [0, 0], sizes = [48, 248], strides = [1, 1]} : vector<48x256xf32> to vector<48x248xf32>
    %concatenate3A_22 = tpu.concatenate %broadcast_in_dim3A_20, %slice3A_21 in 1 : vector<48x8xf32>, vector<48x248xf32> -> vector<48x256xf32>
    %add3A_23 = arith.addf %add3A_18, %concatenate3A_22 : vector<48x256xf32>
    %broadcast_in_dim3A_24 = arith.constant 0.000000e+00 : f32
    %broadcast_in_dim3A_25 = vector.broadcast %broadcast_in_dim3A_24 : f32 to vector<48x16xf32>
    %slice3A_26 = vector.extract_strided_slice %add3A_23 {offsets = [0, 0], sizes = [48, 240], strides = [1, 1]} : vector<48x256xf32> to vector<48x240xf32>
    %concatenate3A_27 = tpu.concatenate %broadcast_in_dim3A_25, %slice3A_26 in 1 : vector<48x16xf32>, vector<48x240xf32> -> vector<48x256xf32>
    %add3A_28 = arith.addf %add3A_23, %concatenate3A_27 : vector<48x256xf32>
    %broadcast_in_dim3A_29 = arith.constant 0.000000e+00 : f32
    %broadcast_in_dim3A_30 = vector.broadcast %broadcast_in_dim3A_29 : f32 to vector<48x32xf32>
    %slice3A_31 = vector.extract_strided_slice %add3A_28 {offsets = [0, 0], sizes = [48, 224], strides = [1, 1]} : vector<48x256xf32> to vector<48x224xf32>
    %concatenate3A_32 = tpu.concatenate %broadcast_in_dim3A_30, %slice3A_31 in 1 : vector<48x32xf32>, vector<48x224xf32> -> vector<48x256xf32>
    %add3A_33 = arith.addf %add3A_28, %concatenate3A_32 : vector<48x256xf32>
    %broadcast_in_dim3A_34 = arith.constant 0.000000e+00 : f32
    %broadcast_in_dim3A_35 = vector.broadcast %broadcast_in_dim3A_34 : f32 to vector<48x64xf32>
    %slice3A_36 = vector.extract_strided_slice %add3A_33 {offsets = [0, 0], sizes = [48, 192], strides = [1, 1]} : vector<48x256xf32> to vector<48x192xf32>
    %concatenate3A_37 = tpu.concatenate %broadcast_in_dim3A_35, %slice3A_36 in 1 : vector<48x64xf32>, vector<48x192xf32> -> vector<48x256xf32>
    %add3A_38 = arith.addf %add3A_33, %concatenate3A_37 : vector<48x256xf32>
    %broadcast_in_dim3A_39 = arith.constant 0.000000e+00 : f32
    %broadcast_in_dim3A_40 = vector.broadcast %broadcast_in_dim3A_39 : f32 to vector<48x128xf32>
    %slice3A_41 = vector.extract_strided_slice %add3A_38 {offsets = [0, 0], sizes = [48, 128], strides = [1, 1]} : vector<48x256xf32> to vector<48x128xf32>
    %concatenate3A_42 = tpu.concatenate %broadcast_in_dim3A_40, %slice3A_41 in 1 : vector<48x128xf32>, vector<48x128xf32> -> vector<48x256xf32>
    %add3A_43 = arith.addf %add3A_38, %concatenate3A_42 : vector<48x256xf32>
    %broadcast_in_dim3A_44 = arith.constant 0.000000e+00 : f32
    %broadcast_in_dim3A_45 = vector.broadcast %broadcast_in_dim3A_44 : f32 to vector<48x1xf32>
    %slice3A_46 = vector.extract_strided_slice %mul3A {offsets = [0, 0], sizes = [48, 255], strides = [1, 1]} : vector<48x256xf32> to vector<48x255xf32>
    %concatenate3A_47 = tpu.concatenate %broadcast_in_dim3A_45, %slice3A_46 in 1 : vector<48x1xf32>, vector<48x255xf32> -> vector<48x256xf32>
    %add3A_48 = arith.addf %mul3A, %concatenate3A_47 : vector<48x256xf32>
    %broadcast_in_dim3A_49 = arith.constant 0.000000e+00 : f32
    %broadcast_in_dim3A_50 = vector.broadcast %broadcast_in_dim3A_49 : f32 to vector<48x2xf32>
    %slice3A_51 = vector.extract_strided_slice %add3A_48 {offsets = [0, 0], sizes = [48, 254], strides = [1, 1]} : vector<48x256xf32> to vector<48x254xf32>
    %concatenate3A_52 = tpu.concatenate %broadcast_in_dim3A_50, %slice3A_51 in 1 : vector<48x2xf32>, vector<48x254xf32> -> vector<48x256xf32>
    %add3A_53 = arith.addf %add3A_48, %concatenate3A_52 : vector<48x256xf32>
    %broadcast_in_dim3A_54 = arith.constant 0.000000e+00 : f32
    %broadcast_in_dim3A_55 = vector.broadcast %broadcast_in_dim3A_54 : f32 to vector<48x4xf32>
    %slice3A_56 = vector.extract_strided_slice %add3A_53 {offsets = [0, 0], sizes = [48, 252], strides = [1, 1]} : vector<48x256xf32> to vector<48x252xf32>
    %concatenate3A_57 = tpu.concatenate %broadcast_in_dim3A_55, %slice3A_56 in 1 : vector<48x4xf32>, vector<48x252xf32> -> vector<48x256xf32>
    %add3A_58 = arith.addf %add3A_53, %concatenate3A_57 : vector<48x256xf32>
    %broadcast_in_dim3A_59 = arith.constant 0.000000e+00 : f32
    %broadcast_in_dim3A_60 = vector.broadcast %broadcast_in_dim3A_59 : f32 to vector<48x8xf32>
    %slice3A_61 = vector.extract_strided_slice %add3A_58 {offsets = [0, 0], sizes = [48, 248], strides = [1, 1]} : vector<48x256xf32> to vector<48x248xf32>
    %concatenate3A_62 = tpu.concatenate %broadcast_in_dim3A_60, %slice3A_61 in 1 : vector<48x8xf32>, vector<48x248xf32> -> vector<48x256xf32>
    %add3A_63 = arith.addf %add3A_58, %concatenate3A_62 : vector<48x256xf32>
    %broadcast_in_dim3A_64 = arith.constant 0.000000e+00 : f32
    %broadcast_in_dim3A_65 = vector.broadcast %broadcast_in_dim3A_64 : f32 to vector<48x16xf32>
    %slice3A_66 = vector.extract_strided_slice %add3A_63 {offsets = [0, 0], sizes = [48, 240], strides = [1, 1]} : vector<48x256xf32> to vector<48x240xf32>
    %concatenate3A_67 = tpu.concatenate %broadcast_in_dim3A_65, %slice3A_66 in 1 : vector<48x16xf32>, vector<48x240xf32> -> vector<48x256xf32>
    %add3A_68 = arith.addf %add3A_63, %concatenate3A_67 : vector<48x256xf32>
    %broadcast_in_dim3A_69 = arith.constant 0.000000e+00 : f32
    %broadcast_in_dim3A_70 = vector.broadcast %broadcast_in_dim3A_69 : f32 to vector<48x32xf32>
    %slice3A_71 = vector.extract_strided_slice %add3A_68 {offsets = [0, 0], sizes = [48, 224], strides = [1, 1]} : vector<48x256xf32> to vector<48x224xf32>
    %concatenate3A_72 = tpu.concatenate %broadcast_in_dim3A_70, %slice3A_71 in 1 : vector<48x32xf32>, vector<48x224xf32> -> vector<48x256xf32>
    %add3A_73 = arith.addf %add3A_68, %concatenate3A_72 : vector<48x256xf32>
    %broadcast_in_dim3A_74 = arith.constant 0.000000e+00 : f32
    %broadcast_in_dim3A_75 = vector.broadcast %broadcast_in_dim3A_74 : f32 to vector<48x64xf32>
    %slice3A_76 = vector.extract_strided_slice %add3A_73 {offsets = [0, 0], sizes = [48, 192], strides = [1, 1]} : vector<48x256xf32> to vector<48x192xf32>
    %concatenate3A_77 = tpu.concatenate %broadcast_in_dim3A_75, %slice3A_76 in 1 : vector<48x64xf32>, vector<48x192xf32> -> vector<48x256xf32>
    %add3A_78 = arith.addf %add3A_73, %concatenate3A_77 : vector<48x256xf32>
    %broadcast_in_dim3A_79 = arith.constant 0.000000e+00 : f32
    %broadcast_in_dim3A_80 = vector.broadcast %broadcast_in_dim3A_79 : f32 to vector<48x128xf32>
    %slice3A_81 = vector.extract_strided_slice %add3A_78 {offsets = [0, 0], sizes = [48, 128], strides = [1, 1]} : vector<48x256xf32> to vector<48x128xf32>
    %concatenate3A_82 = tpu.concatenate %broadcast_in_dim3A_80, %slice3A_81 in 1 : vector<48x128xf32>, vector<48x128xf32> -> vector<48x256xf32>
    %add3A_83 = arith.addf %add3A_78, %concatenate3A_82 : vector<48x256xf32>
    %reduce_sum3A_84 = arith.constant dense<0.000000e+00> : vector<48xf32>
    %reduce_sum3A_85 = vector.multi_reduction <add>, %div3A_6, %reduce_sum3A_84 [1] : vector<48x256xf32> to vector<48xf32>
    %broadcast_in_dim3A_86 = vector.shape_cast %reduce_sum3A_85 : vector<48xf32> to vector<48x1xf32>
    %reduce_sum3A_87 = arith.constant dense<0.000000e+00> : vector<48xf32>
    %reduce_sum3A_88 = vector.multi_reduction <add>, %mul3A, %reduce_sum3A_87 [1] : vector<48x256xf32> to vector<48xf32>
    %broadcast_in_dim3A_89 = vector.shape_cast %reduce_sum3A_88 : vector<48xf32> to vector<48x1xf32>
    %sub3A = vector.broadcast %broadcast_in_dim3A_86 : vector<48x1xf32> to vector<48x256xf32>
    %sub3A_90 = arith.subf %sub3A, %add3A_43 : vector<48x256xf32>
    %sub3A_91 = vector.broadcast %broadcast_in_dim3A_89 : vector<48x1xf32> to vector<48x256xf32>
    %sub3A_92 = arith.subf %sub3A_91, %add3A_83 : vector<48x256xf32>
    %gt3A = arith.constant 0.000000e+00 : f32
    %gt3A_93 = vector.broadcast %gt3A : f32 to vector<48x256xf32>
    %gt3A_94 = arith.cmpf ogt, %add3A_43, %gt3A_93 : vector<48x256xf32>
    %gt3A_95 = arith.constant 0.000000e+00 : f32
    %gt3A_96 = vector.broadcast %gt3A_95 : f32 to vector<48x256xf32>
    %gt3A_97 = arith.cmpf ogt, %add3A_43, %gt3A_96 : vector<48x256xf32>
    %jit3A = arith.constant 1.000000e+00 : f32
    %broadcast_in_dim3A_98 = vector.broadcast %jit3A : f32 to vector<48x256xf32>
    %select_n3A = arith.select %gt3A_97, %add3A_43, %broadcast_in_dim3A_98 : vector<48x256xi1>, vector<48x256xf32>
    %div3A_99 = arith.divf %add3A_83, %select_n3A : vector<48x256xf32>
    %jit3A_100 = arith.constant 0.000000e+00 : f32
    %broadcast_in_dim3A_101 = vector.broadcast %jit3A_100 : f32 to vector<48x256xf32>
    %select_n3A_102 = arith.select %gt3A_94, %div3A_99, %broadcast_in_dim3A_101 : vector<48x256xi1>, vector<48x256xf32>
    %gt3A_103 = arith.constant 0.000000e+00 : f32
    %gt3A_104 = vector.broadcast %gt3A_103 : f32 to vector<48x256xf32>
    %gt3A_105 = arith.cmpf ogt, %sub3A_90, %gt3A_104 : vector<48x256xf32>
    %gt3A_106 = arith.constant 0.000000e+00 : f32
    %gt3A_107 = vector.broadcast %gt3A_106 : f32 to vector<48x256xf32>
    %gt3A_108 = arith.cmpf ogt, %sub3A_90, %gt3A_107 : vector<48x256xf32>
    %jit3A_109 = arith.constant 1.000000e+00 : f32
    %broadcast_in_dim3A_110 = vector.broadcast %jit3A_109 : f32 to vector<48x256xf32>
    %select_n3A_111 = arith.select %gt3A_108, %sub3A_90, %broadcast_in_dim3A_110 : vector<48x256xi1>, vector<48x256xf32>
    %div3A_112 = arith.divf %sub3A_92, %select_n3A_111 : vector<48x256xf32>
    %jit3A_113 = arith.constant 0.000000e+00 : f32
    %broadcast_in_dim3A_114 = vector.broadcast %jit3A_113 : f32 to vector<48x256xf32>
    %select_n3A_115 = arith.select %gt3A_105, %div3A_112, %broadcast_in_dim3A_114 : vector<48x256xi1>, vector<48x256xf32>
    %gt3A_116 = arith.constant 0.000000e+00 : f32
    %gt3A_117 = vector.broadcast %gt3A_116 : f32 to vector<48x256xf32>
    %gt3A_118 = arith.cmpf ogt, %add3A_43, %gt3A_117 : vector<48x256xf32>
    %gt3A_119 = arith.constant 0.000000e+00 : f32
    %gt3A_120 = vector.broadcast %gt3A_119 : f32 to vector<48x256xf32>
    %gt3A_121 = arith.cmpf ogt, %sub3A_90, %gt3A_120 : vector<48x256xf32>
    %and3A = arith.andi %gt3A_118, %gt3A_121 : vector<48x256xi1>
    %mul3A_122 = arith.mulf %add3A_43, %sub3A_90 : vector<48x256xf32>
    %sub3A_123 = arith.subf %select_n3A_102, %select_n3A_115 : vector<48x256xf32>
    %integer_pow3A = arith.mulf %sub3A_123, %sub3A_123 : vector<48x256xf32>
    %mul3A_124 = arith.mulf %mul3A_122, %integer_pow3A : vector<48x256xf32>
    %jit3A_125 = arith.constant -1.000000e+00 : f32
    %broadcast_in_dim3A_126 = vector.broadcast %jit3A_125 : f32 to vector<48x256xf32>
    %select_n3A_127 = arith.select %and3A, %mul3A_124, %broadcast_in_dim3A_126 : vector<48x256xi1>, vector<48x256xf32>
    %iota3A_128 = tpu.iota {dimensions = array<i32: 1>} : vector<48x256xi32>
    %eq3A = arith.constant 255 : i32
    %eq3A_129 = vector.broadcast %eq3A : i32 to vector<48x256xi32>
    %eq3A_130 = arith.cmpi eq, %iota3A_128, %eq3A_129 : vector<48x256xi32>
    %jit3A_131 = arith.constant -1.000000e+00 : f32
    %broadcast_in_dim3A_132 = vector.broadcast %jit3A_131 : f32 to vector<48x256xf32>
    %select_n3A_133 = arith.select %eq3A_130, %broadcast_in_dim3A_132, %select_n3A_127 : vector<48x256xi1>, vector<48x256xf32>
    %reduce_max3A = arith.constant dense<0xFF800000> : vector<48xf32>
    %reduce_max3A_134 = vector.multi_reduction <maximumf>, %select_n3A_133, %reduce_max3A [1] : vector<48x256xf32> to vector<48xf32>
    %broadcast_in_dim3A_135 = vector.shape_cast %reduce_max3A_134 : vector<48xf32> to vector<48x1xf32>
    %eq3A_136 = vector.broadcast %broadcast_in_dim3A_135 : vector<48x1xf32> to vector<48x256xf32>
    %eq3A_137 = arith.cmpf oeq, %select_n3A_133, %eq3A_136 : vector<48x256xf32>
    %jit3A_138 = arith.constant 256 : i32
    %broadcast_in_dim3A_139 = vector.broadcast %jit3A_138 : i32 to vector<48x256xi32>
    %select_n3A_140 = arith.select %eq3A_137, %iota3A_128, %broadcast_in_dim3A_139 : vector<48x256xi1>, vector<48x256xi32>
    %reduce_min3A = arith.constant dense<2147483647> : vector<48xi32>
    %reduce_min3A_141 = vector.multi_reduction <minsi>, %select_n3A_140, %reduce_min3A [1] : vector<48x256xi32> to vector<48xi32>
    %broadcast_in_dim3A_142 = vector.shape_cast %reduce_min3A_141 : vector<48xi32> to vector<48x1xi32>
    %get3A_143 = arith.constant 0 : index
    %get3A_144 = arith.constant 0 : index
    %get3A_145 = vector.load %arg1[%get3A_143, %get3A_144] : memref<1x1xf32, #tpu.memory_space<vmem>>, vector<1x1xf32>
    %get3A_146 = arith.constant 0 : index
    %get3A_147 = arith.constant 0 : index
    %get3A_148 = vector.load %arg2[%get3A_146, %get3A_147] : memref<1x1xf32, #tpu.memory_space<vmem>>, vector<1x1xf32>
    %convert_element_type3A_149 = arith.sitofp %broadcast_in_dim3A_142 : vector<48x1xi32> to vector<48x1xf32>
    %add3A_150 = arith.constant 1.000000e+00 : f32
    %add3A_151 = vector.broadcast %add3A_150 : f32 to vector<48x1xf32>
    %add3A_152 = arith.addf %convert_element_type3A_149, %add3A_151 : vector<48x1xf32>
    %sub3A_153 = arith.subf %get3A_148, %get3A_145 : vector<1x1xf32>
    %mul3A_154 = vector.broadcast %sub3A_153 : vector<1x1xf32> to vector<48x1xf32>
    %mul3A_155 = arith.mulf %add3A_152, %mul3A_154 : vector<48x1xf32>
    %div3A_156 = arith.constant 2.550000e+02 : f32
    %div3A_157 = vector.broadcast %div3A_156 : f32 to vector<48x1xf32>
    %div3A_158 = arith.divf %mul3A_155, %div3A_157 : vector<48x1xf32>
    %add3A_159 = vector.broadcast %get3A_145 : vector<1x1xf32> to vector<48x1xf32>
    %add3A_160 = arith.addf %add3A_159, %div3A_158 : vector<48x1xf32>
    %gt3A_161 = arith.constant 0.000000e+00 : f32
    %gt3A_162 = vector.broadcast %gt3A_161 : f32 to vector<48x1xf32>
    %gt3A_163 = arith.cmpf ogt, %broadcast_in_dim3A_135, %gt3A_162 : vector<48x1xf32>
    %jit3A_164 = arith.constant 0.000000e+00 : f32
    %broadcast_in_dim3A_165 = vector.broadcast %jit3A_164 : f32 to vector<48x1xf32>
    %select_n3A_166 = arith.select %gt3A_163, %add3A_160, %broadcast_in_dim3A_165 : vector<48x1xi1>, vector<48x1xf32>
    %broadcast_in_dim3A_167 = vector.shape_cast %select_n3A_166 : vector<48x1xf32> to vector<48x1xf32>
    %broadcast_in_dim3A_168 = vector.broadcast %broadcast_in_dim3A_167 : vector<48x1xf32> to vector<48x256xf32>
    %swap3A = arith.constant 0 : index
    %swap3A_169 = arith.constant 0 : index
    %swap3A_170 = vector.load %arg3[%swap3A, %swap3A_169] : memref<48x256xf32, #tpu.memory_space<vmem>>, vector<48x256xf32>
    tpu.vector_store %arg3[%swap3A, %swap3A_169], %broadcast_in_dim3A_168 {strides = array<i32>} : memref<48x256xf32, #tpu.memory_space<vmem>>, vector<48x256xf32>,
    return
  }
}

module attributes {stable_mosaic.version = 14 : i64} {
  func.func @_apply_body(%arg0: i32, %arg1: i32, %arg2: memref<8x131072xf32, #tpu.memory_space<vmem>>, %arg3: memref<8x256xf32, #tpu.memory_space<vmem>>, %arg4: memref<8x131072xf32, #tpu.memory_space<vmem>>) attributes {dimension_semantics = [#tpu.dimension_semantics<arbitrary>, #tpu.dimension_semantics<arbitrary>], iteration_bounds = array<i64: 6, 2>, scalar_prefetch = 0 : i64, scratch_operands = 0 : i64, tpu.core_type = #tpu.core_type<tc>, window_params = [{transform_indices = @transform_0, window_bounds = array<i64: 8, 131072>}, {transform_indices = @transform_1, window_bounds = array<i64: 8, 256>}, {transform_indices = @transform_2, window_bounds = array<i64: 8, 131072>}]} {
    %get3A = arith.constant 0 : index
    %get3A_0 = arith.constant 0 : index
    %get3A_1 = vector.load %arg2[%get3A, %get3A_0] : memref<8x131072xf32, #tpu.memory_space<vmem>>, vector<8x131072xf32>
    %get3A_2 = arith.constant 0 : index
    %get3A_3 = arith.constant 0 : index
    %get3A_4 = vector.load %arg3[%get3A_2, %get3A_3] : memref<8x256xf32, #tpu.memory_space<vmem>>, vector<8x1xf32>
    %gt3A = vector.broadcast %get3A_4 : vector<8x1xf32> to vector<8x131072xf32>
    %gt3A_5 = arith.cmpf ogt, %get3A_1, %gt3A : vector<8x131072xf32>
    %jit3A = arith.constant 0.000000e+00 : f32
    %broadcast_in_dim3A = vector.broadcast %jit3A : f32 to vector<8x131072xf32>
    %select_n3A = arith.select %gt3A_5, %get3A_1, %broadcast_in_dim3A : vector<8x131072xi1>, vector<8x131072xf32>
    %swap3A = arith.constant 0 : index
    %swap3A_6 = arith.constant 0 : index
    %swap3A_7 = vector.load %arg4[%swap3A, %swap3A_6] : memref<8x131072xf32, #tpu.memory_space<vmem>>, vector<8x131072xf32>
    tpu.vector_store %arg4[%swap3A, %swap3A_6], %select_n3A {strides = array<i32>} : memref<8x131072xf32, #tpu.memory_space<vmem>>, vector<8x131072xf32>,
    return
  }
  func.func @transform_0(%arg0: i32, %arg1: i32) -> (i32, i32) {
    %c0_i32 = arith.constant 0 : i32
    return %arg0, %arg1 : i32, i32
  }
  func.func @transform_1(%arg0: i32, %arg1: i32) -> (i32, i32) {
    %c0_i32 = arith.constant 0 : i32
    %c0_i32_0 = arith.constant 0 : i32
    return %arg0, %c0_i32 : i32, i32
  }
  func.func @transform_2(%arg0: i32, %arg1: i32) -> (i32, i32) {
    %c0_i32 = arith.constant 0 : i32
    return %arg0, %arg1 : i32, i32
  }
}

</mosaic_0001>

<sc_bundles>
// kernel: kernel.6.cloned.1.call-start
scs
__scs_entry_jumppad:
0x0: {  	(pc) =	sbr.rel $0x88, $3  }
0x1: {  	(tag) =	ssettag $0x0;
	lr =	simm.s32 $0x1  }
0x2: {  	[smem:$0x3F9F] =	sst lr;
	_ =	strace $0xD0000000  }
0x3: {  	_ = 	snop  }
0x4: {  	_ = 	snop  }
0x5: {  	_ = 	snop  }
0x6: {  	_ = 	snop  }
0x7: {  	_ = 	snop  }
__scs_overlays_trampoline_lowered:
0x8: {  	[smem:$0x3FAE] =	sst s0  }
0x9: {  	[smem:$0x3FAF] =	sst s1  }
0xa: {  	[smem:$0x3FB0] =	sst s2  }
0xb: {  	[smem:$0x3FB1] =	sst s3  }
0xc: {  	[smem:$0x3FB2] =	sst s4  }
0xd: {  	[smem:$0x3FB3] =	sst s5  }
0xe: {  	[smem:$0x3FB4] =	sst s6  }
0xf: {  	[smem:$0x3FB5] =	sst s7  }
0x10: {  	[smem:$0x3FB6] =	sst s8  }
0x11: {  	[smem:$0x3FB7] =	sst s9;
	s0 =	simm.s32 @!p0 $0x0  }
0x12: {  	s1 =	sld [smem:$0x3F9D];
	s0 =	simm.s32 @p0 $0x1  }
0x13: {  	[smem:$0x3FB8] =	sst s0;
	s0 =	simm.s32 @!p1 $0x0  }
0x14: {  	s2 =	sld [smem:$0x3F9C];
	s0 =	simm.s32 @p1 $0x1  }
0x15: {  	[smem:$0x3FB9] =	sst s0;
	s0 =	simm.s32 @!p2 $0x0  }
0x16: {  	s3 =	sld [smem:$0x3FDB];
	s0 =	simm.s32 @p2 $0x1  }
0x17: {  	s4 =	simm.s32 $0x1BF5;
	[smem:$0x3FBB] =	sst s0  }
0x18: {  	s0 =	sld [smem:$0x3F9E];
	_ =	swait.ge [sflag:s4], $0x0  }
0x19: {  	s7 =	sld [smem:$0x3F9F]  }
0x1a: {  	s8 =	sadd.s32 $0xFFFFE003, lr  }
0x1b: {  	s9 =	sadd.s32 $0xFFFFFEF7, lr;
	s5 =	simm.s32 $0xFFFFFFFF;
	p2 =	slt.u32 s8, $0xFFFFF086  }
0x1c: {  	p1 =	slt.u32 s9, $0xF7A;
	s5 =	simm.s32 @!p2 $0x0  }
0x1d: {  	s5 =	simm.s32 @p1 $0x1;
	p0 =	seq.s32 s7, s2  }
0x1e: {  	s7 =	smul.u32 @!p0 $0xF7A, s2;
	p2 =	seq.s32 @!p0 s5, $0x0  }
0x1f: {  	s9 =	smul.u32 $0xF7A, s1;
	s8 =	simm.s32 @!p0 $0x1BF5;
	p2 =	por !p2, p0  }
0x20: {  	[sflag:s8] =	ssyncset.s32 @!p0 $0xFFFFF086;
	s6 =	sadd.s32 @!p0 s3, s7;
	s7 =	simm.s32 @!p0 $0x108  }
0x21: {  	s3 =	sadd.s32 s3, s9;
	s6 =	sadd.s32 @!p0 $0x88, s6;
	s7 =	simm.s32 @p2 $0x1082  }
0x22: {  	[simem:s7], [sflag:s8] =	dma.local @!p0 [hbm:s6], $0xF7A  }
0x23: {  	s9 =	sor.u32 $0xD0000000, s2;
	s6 =	simm.s32 $0x108;
	_ =	swait.ge @!p0 [sflag:s8], $0x0  }
0x24: {  	s3 =	sadd.s32 $0x88, s3;
	s6 =	simm.s32 @!p1 $0x1082;
	[sflag:s4] =	ssyncset.s32 $0xFFFFF086  }
0x25: {  	[simem:s6], [sflag:s4] =	dma.local [hbm:s3], $0xF7A  }
0x26: {  	[smem:$0x3F9F] =	sst s1;
	(tag) =	ssettag s2;
	_ =	strace s9  }
0x27: {  	s1 =	sld [smem:$0x3FAF]  }
0x28: {  	s2 =	sld [smem:$0x3FB0]  }
0x29: {  	s4 =	sld [smem:$0x3FB2]  }
0x2a: {  	p0 =	seq.s32 s5, $0x0;
	s5 =	sld [smem:$0x3FB3]  }
0x2b: {  	s6 =	sld [smem:$0x3FB4]  }
0x2c: {  	s7 =	sld [smem:$0x3FB5]  }
0x2d: {  	s3 =	simm.s32 $0x108;
	s8 =	sld [smem:$0x3FB6]  }
0x2e: {  	s3 =	simm.s32 @!p0 $0x1082;
	s9 =	sld [smem:$0x3FB7]  }
0x2f: {  	lr =	sadd.s32 s0, s3;
	s0 =	sld [smem:$0x3FAE]  }
0x30: {  	s3 =	sld [smem:$0x3FB1]  }
0x31: {  	[smem:$0x3FBA] =	sst s10  }
0x32: {  	s10 =	sld [smem:$0x3FB8];
	_ =	sdelay $0x3  }
0x33: {  	p0 =	seq.s32 s10, $0x1;
	s10 =	sld [smem:$0x3FBA];
	_ =	sdelay $0x3  }
0x34: {  	[smem:$0x3FBA] =	sst s10  }
0x35: {  	s10 =	sld [smem:$0x3FB9];
	_ =	sdelay $0x3  }
0x36: {  	p1 =	seq.s32 s10, $0x1;
	s10 =	sld [smem:$0x3FBA];
	_ =	sdelay $0x3  }
0x37: {  	[smem:$0x3FBA] =	sst s10  }
0x38: {  	s10 =	sld [smem:$0x3FBB]  }
0x39: {  	_ = 	snop;
	(pc) =	sbr.ind lr, $3  }
0x3a: {  	_ = 	snop  }
0x3b: {  	_ = 	snop  }
0x3c: {  	p2 =	seq.s32 s10, $0x1;
	s10 =	sld [smem:$0x3FBA]  }
0x3d: {  	_ =	shalt  }
0x3e: {  	_ =	shalt  }
0x3f: {  	_ =	shalt  }
0x40: {  	_ =	shalt  }
0x41: {  	_ =	shalt  }
0x42: {  	_ =	shalt  }
0x43: {  	_ =	shalt  }
0x44: {  	_ =	shalt  }
0x45: {  	_ =	shalt  }
0x46: {  	_ =	shalt  }
0x47: {  	_ =	shalt  }
0x48: {  	_ =	shalt  }
0x49: {  	_ =	shalt  }
0x4a: {  	_ =	shalt  }
0x4b: {  	_ =	shalt  }
0x4c: {  	_ =	shalt  }
0x4d: {  	_ =	shalt  }
0x4e: {  	_ =	shalt  }
0x4f: {  	_ =	shalt  }
0x50: {  	_ =	shalt  }
0x51: {  	_ =	shalt  }
0x52: {  	_ =	shalt  }
0x53: {  	_ =	shalt  }
0x54: {  	_ =	shalt  }
0x55: {  	_ =	shalt  }
0x56: {  	_ =	shalt  }
0x57: {  	_ =	shalt  }
0x58: {  	_ =	shalt  }
0x59: {  	_ =	shalt  }
0x5a: {  	_ =	shalt  }
0x5b: {  	_ =	shalt  }
0x5c: {  	_ =	shalt  }
0x5d: {  	_ =	shalt  }
0x5e: {  	_ =	shalt  }
0x5f: {  	_ =	shalt  }
0x60: {  	_ =	shalt  }
0x61: {  	_ =	shalt  }
0x62: {  	_ =	shalt  }
0x63: {  	_ =	shalt  }
0x64: {  	_ =	shalt  }
0x65: {  	_ =	shalt  }
0x66: {  	_ =	shalt  }
0x67: {  	_ =	shalt  }
0x68: {  	_ =	shalt  }
0x69: {  	_ =	shalt  }
0x6a: {  	_ =	shalt  }
0x6b: {  	_ =	shalt  }
0x6c: {  	_ =	shalt  }
0x6d: {  	_ =	shalt  }
0x6e: {  	_ =	shalt  }
0x6f: {  	_ =	shalt  }
0x70: {  	_ =	shalt  }
0x71: {  	_ =	shalt  }
0x72: {  	_ =	shalt  }
0x73: {  	_ =	shalt  }
0x74: {  	_ =	shalt  }
0x75: {  	_ =	shalt  }
0x76: {  	_ =	shalt  }
0x77: {  	_ =	shalt  }
0x78: {  	_ =	shalt  }
0x79: {  	_ =	shalt  }
0x7a: {  	_ =	shalt  }
0x7b: {  	_ =	shalt  }
0x7c: {  	_ =	shalt  }
0x7d: {  	_ =	shalt  }
0x7e: {  	_ =	shalt  }
0x7f: {  	_ =	shalt  }
0x80: {  	_ =	shalt  }
0x81: {  	_ =	shalt  }
0x82: {  	_ =	shalt  }
0x83: {  	_ =	shalt  }
0x84: {  	_ =	shalt  }
0x85: {  	_ =	shalt  }
0x86: {  	_ =	shalt  }
0x87: {  	_ =	shalt  }
.Lfunc_end0:
.L_simem_size_0:
called_computation.1_lowered:
.L_overlay_start_0:
0x88: {  	s2 =	sld [smem:$0x3FD9]  }
0x89: {  	s3 =	sld [smem:$0x3FFE];
	_ =	sdelay $0x1  }
0x8a: {  	s1 =	srdreg.scid  }
0x8b: {  	s0 =	sand.u32 $0x1, s1  }
0x8c: {  	s14 =	sshll.u32 s0, $0xA;
	s2 =	sadd.s32 s3, s2  }
0x8d: {  	s2 =	sadd.s32 s2, s14  }
0x8e: {  	[smem:$0x3FC6] =	sst s2  }
0x8f: {  	_ = 	snop  }
0x90: {  	s2 =	sld [smem:$0x3FD0];
	_ =	sdelay $0x2  }
0x91: {  	s15 =	simm.s32 $0xA;
	s4 =	simm.s32 $0x10  }
0x92: {  	[smem:s4], [sflag:s15] =	dma.local [hbm:s2], $0x1  }
0x93: {  	_ =	swait.eq [sflag:s15], $0x1  }
0x94: {  	[sflag:s15] =	ssyncset.done $0x0  }
0x95: {  	[sflag:s15] =	ssyncadd.s32 $0xFFFFFFFF  }
0x96: {  	s16 =	sld [smem:$0x10];
	(tm) =	ssettm $0x1  }
0x97: {  	s17 =	sld [smem:$0x3FFB];
	_ =	sdelay $0x3  }
0x98: {  	_ =	strace s17  }
0x99: {  	s3 =	sld [smem:$0x3FFC];
	_ =	sdelay $0x3  }
0x9a: {  	_ =	strace s3  }
0x9b: {  	s3 =	sld [smem:$0x3FFD];
	_ =	sdelay $0x3  }
0x9c: {  	_ =	strace s3  }
0x9d: {  	_ =	strace $0x8FFFFFFF  }
0x9e: {  	s18 =	sld [smem:$0x3FDB];
	_ =	sdelay $0x1  }
0x9f: {  	s19 =	simm.s32 $_scs_section_size  }
0xa0: {  	s5 =	simm.s32 $_size__tile_overlayer_lowered;
	s6 =	simm.s32 $_tile_overlayer_lowered  }
0xa1: {  	s22 =	simm.s32 $0x1BFF;
	s21 =	sshll.u32 s6, $0x1;
	s3 =	sadd.s32 s19, s18  }
0xa2: {  	s7 =	simm.s32 $0x0;
	s20 =	sshll.u32 s5, $0x1;
	s5 =	sadd.s32 s21, s3  }
0xa3: {  	[timem:s7], [sflag:s22] =	dma.local [hbm:s5], s20  }
0xa4: {  	_ =	swait.ge [sflag:s22], s20  }
0xa5: {  	s4 =	ssub.s32 $0x0, s20;
	[sflag:s22] =	ssyncset.done $0x0  }
0xa6: {  	[sflag:s22] =	ssyncadd.s32 s4;
	_ =	sdelay $0x1  }
0xa7: {  	s23 =	simm.s32 $0x1B8B  }
0xa8: {  	_ =	swait.ge [sflag:s23], $0x1  }
0xa9: {  	[sflag:s23] =	ssyncset.done $0x0  }
0xaa: {  	s25 =	simm.s32 $0x1B8E;
	s24 =	sld [smem:$0x3FFE];
	[sflag:s23] =	ssyncadd.s32 $0xFFFFFFFF  }
0xab: {  	s26 =	simm.s32 $execute0_lowered;
	[smem:$0x3FD2] =	sst s25  }
0xac: {  	s5 =	sshll.u32 s26, $0x1;
	_ =	strace $0x80000049;
	[dreg:$0x1] =	wrdreg $0xFFFFFFFF  }
0xad: {  	s28 =	simm.s32 $_size_execute0_lowered;
	s3 =	sadd.s32 s3, s5;
	[dreg:$0x0] =	wrdreg $0x0  }
0xae: {  	s5 =	sshll.u32 s28, $0x1;
	[dreg:$0x2] =	wrdreg s3  }
0xaf: {  	[dreg:$0x3] =	wrdreg s5  }
0xb0: {  	[dreg:$0x4] =	wrdreg $0xC0  }
0xb1: {  	_ =	task [dreg:s7], $0x5FFFF  }
0xb2: {  	[dreg:$0x1] =	wrdreg $0xFFFFFFFF  }
0xb3: {  	[dreg:$0x0] =	wrdreg $0x60  }
0xb4: {  	[dreg:$0x2] =	wrdreg s16  }
0xb5: {  	[dreg:$0x3] =	wrdreg s24  }
0xb6: {  	[dreg:$0x4] =	wrdreg $0x9  }
0xb7: {  	_ =	task.clear_ibuf [dreg:s7], $0x5FFFF;
	_ =	strace $0x90000049  }
0xb8: {  	s29 =	simm.s32 $0x9;
	_ =	strace $0x8000004B  }
0xb9: {  	_ =	swait.ge [sflag:s29], $0x1  }
0xba: {  	[sflag:s29] =	ssyncadd.s32 $0xFFFFFFFF  }
0xbb: {  	_ =	strace $0x9000004B  }
0xbc: {  	_ =	sfence  }
0xbd: {  	s30 =	sld [smem:$0x0];
	_ =	sdelay $0x2  }
0xbe: {  	s31 =	sshll.u32 s1, $0xD;
	s1 =	sshrl.u32 s1, $0x2  }
0xbf: {  	s3 =	sand.u32 $0x4000, s31;
	s1 =	sadd.s32 s1, s30  }
0xc0: {  	s0 =	sor.u32 s3, s0;
	s1 =	sshll.u32 s1, $0x11  }
0xc1: {  	s0 =	sor.u32 s1, s0  }
0xc2: {  	s0 =	sadd.s32 $0x8F2B, s0  }
0xc3: {  	[sflag:s0] =	ssyncadd.remote.s32 $0x1  }
0xc4: {  	_ =	sfence.sel $0xFFFF  }
0xc5: {  	[dreg:$0x0] =	wrdreg $0xFFFFFFFF;
	(pc) =	sbr.abs _section_cstart, $3  }
0xc6: {  	[dreg:$0x1] =	wrdreg $0xFFFFFFFF  }
0xc7: {  	_ =	task.clear_ibuf [dreg:s7], $0x2FFFF;
	_ =	strace $0x9FFFFFFF  }
0xc8: {  	(tm) =	ssettm $0x7FFFFFFF  }
0xc9: {  	_ =	shalt  }
tec
execute0_lowered:
.L_overlay_start_1:
0x0: {  	(tag) =	ssettag $0x1  }
0x1: {  	s1 =	rddreg [dreg:$0x0]  }
0x2: {  	s8 =	rddreg [dreg:$0x1]  }
0x3: {  	s0 =	rddreg [dreg:$0x2]  }
0x4: {  	s3 =	simm.s32 $0x0;
	s4 =	srdreg.scid;
	s2 =	stileid.u32  }
0x5: {  	s13 =	simm.s32 $0x6080;
	s14 =	simm.s32 $0x6100;
	s15 =	simm.s32 $0x6200  }
0x6: {  	s16 =	simm.s32 $0x80;
	s17 =	simm.s32 $0x400;
	s18 =	simm.s32 $0x2000  }
0x7: {  	s19 =	simm.s32 $0x3000;
	s20 =	simm.s32 $0x0;
	[smem:$0x7FF] =	sst s3  }
0x8: {  	s6 =	sand.u32 $0x1, s4;
	s5 =	sshll.u32 s2, $0x1;
	s4 =	sadd.s32 $0xE00, s8  }
0x9: {  	s7 =	sadd.s32 $0xC00, s8;
	s9 =	sor.u32 s6, s5;
	s11 =	ssub.s32 $0x2, s6  }
0xa: {  	v0 =	vlaneseq.u32;
	_ =	strace $0x8000004A;
	s10 =	smul.u32 $0x600, s9;
	s12 =	sshrl.u32 s11, $0x1  }
0xb: {  	v0 =	vmul.u32 $0x100, v0;
	s5 =	sadd.s32 $0x1000, s8;
	s6 =	sadd.s32 $0xA00, s8;
	s11 =	ssub.s32 s11, s12  }
0xc: {  	v1 =	vimm.f32 $0.0e+00;
	s12 =	simm.s32 $0x1;
	s10 =	sadd.s32 s10, s8;
	s8 =	sshll.u32 s9, $0x10  }
0xd: {  	v2 =	vimm.s32 $0x0;
	v4 =	vimm.f32 $1.000000000e+00;
	v3 =	vadd.s32 $0xFFFFFFFF, v0;
	s9 =	sadd.s32 $0x1200, s10;
	s10 =	smax.u32 s11, $0x1;
	s11 =	simm.s32 $0x6000  }
.LBB2_1:
0xe: {  	[tilespmem:s11], [sflag:$0x1] =	stream.linear.gather [hbm4b:s4+s3], $0x80, $0x38;
	[tilespmem:$0x6300] =	vst v63  }
0xf: {  	_ =	swait.ge [sflag:s12], $0x80  }
0x10: {  	[sflag:s12] =	ssyncset.done $0x0  }
0x11: {  	[sflag:s12] =	ssyncadd.s32 $0xFFFFFF80  }
0x12: {  	[tilespmem:s13], [sflag:$0x1] =	stream.linear.gather [hbm4b:s5+s3], $0x80, $0x38;
	[tilespmem:$0x6300] =	vst v63  }
0x13: {  	_ =	swait.ge [sflag:s12], $0x80  }
0x14: {  	[sflag:s12] =	ssyncset.done $0x0  }
0x15: {  	[sflag:s12] =	ssyncadd.s32 $0xFFFFFF80  }
0x16: {  	[tilespmem:s14], [sflag:$0x1] =	stream.linear.gather [hbm4b:s6+s3], $0x100, $0x38;
	[tilespmem:$0x6300] =	vst v63  }
0x17: {  	_ =	swait.ge [sflag:s12], $0x100  }
0x18: {  	[sflag:s12] =	ssyncset.done $0x0  }
0x19: {  	[sflag:s12] =	ssyncadd.s32 $0xFFFFFF00  }
0x1a: {  	[tilespmem:s15], [sflag:$0x1] =	stream.linear.gather [hbm4b:s7+s3], $0x100, $0x38;
	[tilespmem:$0x6300] =	vst v63  }
0x1b: {  	_ =	swait.ge [sflag:s12], $0x100  }
0x1c: {  	[sflag:s12] =	ssyncset.done $0x0  }
0x1d: {  	[sflag:s12] =	ssyncadd.s32 $0xFFFFFF00  }
0x1e: {  	v5 =	vld [tilespmem:$0x6000]  }
0x1f: {  	s21 =	simm.s32 $0x40;
	s22 =	simm.s32 $0x0;
	v6 =	vld [tilespmem:$0x6080]  }
.LBB2_2:
0x20: {  	p0 =	sne.s32 s21, $0x3FC0;
	[tilespmem:s22+$0x2000] =	vst v1;
	s22 =	smov.u32 s21;
	s21 =	sadd.s32 $0x40, s21  }
.Ltmp0:
0x21: {  	(pc) =	sbr.rel @p0 .LBB2_2-.Ltmp0, $2  }
0x22: {  	_ =	sdelay $0x2  }
0x23: {  	s22 =	sshra.s32 s22, $0x2  }
0x24: {  	[tilespmem:s22+$0x2000] =	vst v1;
	s21 =	simm.s32 $0x0;
	s22 =	simm.s32 $0x0  }
.LBB2_4:
0x25: {  	s23 =	sshrl.u32 s22, $0x3  }
0x26: {  	s24 =	sshll.u32 s22, $0x7;
	s26 =	sshll.u32 s23, $0x15  }
0x27: {  	s25 =	sand.u32 $0x380, s24;
	s31 =	sor.u32 s8, s26  }
0x28: {  	s24 =	sor.u32 s25, s31  }
0x29: {  	s24 =	sshrl.u32 s24, $0x3  }
0x2a: {  	s24 =	sadd.s32 s1, s24  }
0x2b: {  	[tilespmem:s21], [sflag:$0x1] =	stream.strided.gather [hbm4b:s24+s16], $0x2000, s17, s16, $0x38;
	[tilespmem:$0x6300] =	vst v63  }
0x2c: {  	_ =	swait.ge [sflag:s12], $0x2000  }
0x2d: {  	[sflag:s12] =	ssyncset.done $0x0  }
0x2e: {  	s24 =	simm.s32 $0x0;
	[sflag:s12] =	ssyncadd.s32 $0xFFFFE000  }
.LBB2_5:
0x2f: {  	s26 =	sshra.s32 s24, $0x2  }
0x30: {  	v7 =	vld [tilespmem:s26+$0x0];
	_ =	sdelay $0x4  }
0x31: {  	v8 =	vsub.f32 v7, v6;
	_ =	sdelay $0x1  }
0x32: {  	v8 =	vmul.f32 v8, v5;
	_ =	sdelay $0x1  }
0x33: {  	v8 =	vtrunc.f32 v8  }
0x34: {  	v8 =	vcvt.f32.s32 v8;
	_ =	sdelay $0x1  }
0x35: {  	vm0 =	vlt.s32 v8, $0xFF  }
0x36: {  	v8 =	vnsel vm0, $0xFF, v8;
	_ =	sdelay $0x4  }
0x37: {  	v9 =	vld.idx.msk [tilespmem:v8+s14+$0x0], $0xffff  }
0x38: {  	v10 =	vld.idx.msk [tilespmem:v8+s15+$0x0], $0xffff;
	_ =	sdelay $0x4  }
0x39: {  	vm15 =	vge.f32 v7, v10;
	vm1 =	vlt.f32 v7, v9  }
0x3a: {  	v7 =	vsel vm15, $0x1, v2;
	v9 =	vsel vm1, v3, v0  }
0x3b: {  	v7 =	vadd.s32 v7, v9  }
0x3c: {  	p0 =	seq.s32 s24, $0x7FC0;
	v7 =	vadd.s32 v8, v7  }
.Ltmp1:
0x3d: {  	_ = 	snop;
	(pc) =	sbr.rel @!p0 .LBB2_5-.Ltmp1, $2  }
0x3e: {  	_ =	sdelay $0x2  }
0x3f: {  	s24 =	sadd.s32 $0x40, s24;
	[tilespmem:v7+s18+$0x0] =	vst.idx.add.f32.msk $0xffff, v4  }
0x40: {  	s24 =	simm.s32 $0x0  }
0x41: {  	s31 =	sand.u32 $0xF0, s24  }
0x42: {  	v8 =	vld [tilespmem:s31+$0x2000];
	_ =	sdelay $0x1  }
0x43: {  	v9 =	vld [tilespmem:s31+$0x2100];
	_ =	sdelay $0x1  }
0x44: {  	v10 =	vld [tilespmem:s31+$0x2200]  }
0x45: {  	v8 =	vadd.f32 $0.0e+00, v8  }
0x46: {  	v11 =	vld [tilespmem:s31+$0x2300]  }
0x47: {  	v8 =	vadd.f32 v9, v8  }
0x48: {  	v55 =	vld [tilespmem:s31+$0x2400]  }
0x49: {  	v8 =	vadd.f32 v10, v8  }
0x4a: {  	v56 =	vld [tilespmem:s31+$0x2500]  }
0x4b: {  	v8 =	vadd.f32 v11, v8  }
0x4c: {  	v57 =	vld [tilespmem:s31+$0x2600]  }
0x4d: {  	v8 =	vadd.f32 v55, v8  }
0x4e: {  	v58 =	vld [tilespmem:s31+$0x2700]  }
0x4f: {  	v8 =	vadd.f32 v56, v8  }
0x50: {  	v59 =	vld [tilespmem:s31+$0x2800]  }
0x51: {  	v8 =	vadd.f32 v57, v8  }
0x52: {  	v60 =	vld [tilespmem:s31+$0x2900]  }
0x53: {  	v12 =	vld [tilespmem:s31+$0x2F00];
	v8 =	vadd.f32 v58, v8  }
0x54: {  	v61 =	vld [tilespmem:s31+$0x2A00]  }
0x55: {  	v13 =	vld [tilespmem:s31+$0x2E00];
	[tilespmem:s31+$0x2F00] =	vst v1;
	v8 =	vadd.f32 v59, v8  }
0x56: {  	v62 =	vld [tilespmem:s31+$0x2B00];
	[tilespmem:s31+$0x2E00] =	vst v1  }
0x57: {  	v14 =	vld [tilespmem:s31+$0x2D00];
	[tilespmem:s31+$0x2D00] =	vst v1;
	v8 =	vadd.f32 v60, v8  }
0x58: {  	v63 =	vld [tilespmem:s31+$0x2C00];
	[tilespmem:s31+$0x2C00] =	vst v1  }
0x59: {  	[tilespmem:s31+$0x2B00] =	vst v1;
	v8 =	vadd.f32 v61, v8  }
0x5a: {  	[tilespmem:s31+$0x2A00] =	vst v1  }
0x5b: {  	[tilespmem:s31+$0x2900] =	vst v1;
	v8 =	vadd.f32 v62, v8  }
0x5c: {  	[tilespmem:s31+$0x2800] =	vst v1  }
0x5d: {  	[tilespmem:s31+$0x2700] =	vst v1;
	v8 =	vadd.f32 v63, v8  }
0x5e: {  	[tilespmem:s31+$0x2600] =	vst v1  }
0x5f: {  	[tilespmem:s31+$0x2500] =	vst v1;
	v8 =	vadd.f32 v14, v8  }
0x60: {  	s23 =	sshll.u32 s23, $0xB;
	v7 =	vmov s25;
	[tilespmem:s31+$0x2400] =	vst v1  }
0x61: {  	s23 =	sand.u32 $0x3FFFF800, s23;
	[tilespmem:s31+$0x2300] =	vst v1;
	v8 =	vadd.f32 v13, v8  }
0x62: {  	s26 =	sand.u32 $0x400, s24;
	s23 =	sadd.s32 $0x3000, s23;
	[tilespmem:s31+$0x2200] =	vst v1  }
0x63: {  	s28 =	sand.u32 $0x70, s24;
	[tilespmem:s31+$0x2100] =	vst v1;
	s29 =	sadd.s32 s26, s23;
	v8 =	vadd.f32 v12, v8  }
0x64: {  	[tilespmem:s31+$0x2000] =	vst v1;
	s26 =	simm.s32 $0x10;
	s29 =	sadd.s32 s28, s29  }
0x65: {  	s25 =	sand.u32 $0xF0, s26;
	s28 =	simm.s32 $0x20;
	[tilespmem:v7+s29+$0x0 ss:$0x1] =	vst.idx.msk $0xffff, v8  }
.LBB2_7:
0x66: {  	p0 =	sne.s32 s28, $0xF0;
	v8 =	vld [tilespmem:s25+$0x2000];
	_ =	sdelay $0x1  }
0x67: {  	v9 =	vld [tilespmem:s25+$0x2100];
	_ =	sdelay $0x1  }
0x68: {  	v10 =	vld [tilespmem:s25+$0x2200]  }
0x69: {  	v8 =	vadd.f32 $0.0e+00, v8  }
0x6a: {  	v11 =	vld [tilespmem:s25+$0x2300]  }
0x6b: {  	v8 =	vadd.f32 v9, v8  }
0x6c: {  	v9 =	vld [tilespmem:s25+$0x2400]  }
0x6d: {  	v8 =	vadd.f32 v10, v8  }
0x6e: {  	v10 =	vld [tilespmem:s25+$0x2500]  }
0x6f: {  	v8 =	vadd.f32 v11, v8  }
0x70: {  	v11 =	vld [tilespmem:s25+$0x2600]  }
0x71: {  	v8 =	vadd.f32 v9, v8  }
0x72: {  	v9 =	vld [tilespmem:s25+$0x2700]  }
0x73: {  	v8 =	vadd.f32 v10, v8  }
0x74: {  	v10 =	vld [tilespmem:s25+$0x2800]  }
0x75: {  	v8 =	vadd.f32 v11, v8  }
0x76: {  	v11 =	vld [tilespmem:s25+$0x2900]  }
0x77: {  	v8 =	vadd.f32 v9, v8;
	v9 =	vld [tilespmem:s25+$0x2F00]  }
0x78: {  	v12 =	vld [tilespmem:s25+$0x2A00]  }
0x79: {  	v8 =	vadd.f32 v10, v8;
	v10 =	vld [tilespmem:s25+$0x2E00];
	[tilespmem:s25+$0x2F00] =	vst v1  }
0x7a: {  	v13 =	vld [tilespmem:s25+$0x2B00];
	[tilespmem:s25+$0x2E00] =	vst v1  }
0x7b: {  	v8 =	vadd.f32 v11, v8;
	v11 =	vld [tilespmem:s25+$0x2D00];
	[tilespmem:s25+$0x2D00] =	vst v1  }
0x7c: {  	v14 =	vld [tilespmem:s25+$0x2C00];
	[tilespmem:s25+$0x2C00] =	vst v1  }
0x7d: {  	v8 =	vadd.f32 v12, v8;
	[tilespmem:s25+$0x2B00] =	vst v1  }
0x7e: {  	[tilespmem:s25+$0x2A00] =	vst v1  }
0x7f: {  	[tilespmem:s25+$0x2900] =	vst v1;
	v8 =	vadd.f32 v13, v8  }
0x80: {  	[tilespmem:s25+$0x2800] =	vst v1  }
0x81: {  	[tilespmem:s25+$0x2700] =	vst v1;
	v8 =	vadd.f32 v14, v8  }
0x82: {  	[tilespmem:s25+$0x2600] =	vst v1  }
0x83: {  	[tilespmem:s25+$0x2500] =	vst v1;
	v8 =	vadd.f32 v11, v8  }
0x84: {  	[tilespmem:s25+$0x2400] =	vst v1  }
.Ltmp2:
0x85: {  	s24 =	sadd.s32 $0x80, s24;
	[tilespmem:s25+$0x2300] =	vst v1;
	v8 =	vadd.f32 v10, v8;
	(pc) =	sbr.rel @p0 .LBB2_7-.Ltmp2, $4  }
0x86: {  	s29 =	sand.u32 $0x400, s24;
	[tilespmem:s25+$0x2200] =	vst v1  }
0x87: {  	s30 =	sand.u32 $0x70, s26;
	s26 =	smov.u32 s28;
	s29 =	sadd.s32 s29, s23;
	[tilespmem:s25+$0x2100] =	vst v1;
	v8 =	vadd.f32 v9, v8  }
0x88: {  	s29 =	sadd.s32 s30, s29;
	[tilespmem:s25+$0x2000] =	vst v1  }
0x89: {  	s28 =	sadd.s32 $0x10, s28;
	s25 =	sand.u32 $0xF0, s26;
	[tilespmem:v7+s29+$0x0 ss:$0x1] =	vst.idx.msk $0xffff, v8  }
0x8a: {  	v8 =	vld [tilespmem:s25+$0x2000];
	_ =	sdelay $0x1  }
0x8b: {  	v9 =	vld [tilespmem:s25+$0x2100];
	_ =	sdelay $0x1  }
0x8c: {  	v10 =	vld [tilespmem:s25+$0x2200]  }
0x8d: {  	v8 =	vadd.f32 $0.0e+00, v8  }
0x8e: {  	v11 =	vld [tilespmem:s25+$0x2300]  }
0x8f: {  	v8 =	vadd.f32 v9, v8  }
0x90: {  	v55 =	vld [tilespmem:s25+$0x2400]  }
0x91: {  	v8 =	vadd.f32 v10, v8  }
0x92: {  	v56 =	vld [tilespmem:s25+$0x2500]  }
0x93: {  	v8 =	vadd.f32 v11, v8  }
0x94: {  	v57 =	vld [tilespmem:s25+$0x2600]  }
0x95: {  	v8 =	vadd.f32 v55, v8  }
0x96: {  	v58 =	vld [tilespmem:s25+$0x2700]  }
0x97: {  	v8 =	vadd.f32 v56, v8  }
0x98: {  	v59 =	vld [tilespmem:s25+$0x2800]  }
0x99: {  	v8 =	vadd.f32 v57, v8  }
0x9a: {  	v60 =	vld [tilespmem:s25+$0x2900]  }
0x9b: {  	v12 =	vld [tilespmem:s25+$0x2F00];
	v8 =	vadd.f32 v58, v8  }
0x9c: {  	v61 =	vld [tilespmem:s25+$0x2A00]  }
0x9d: {  	v13 =	vld [tilespmem:s25+$0x2E00];
	[tilespmem:s25+$0x2F00] =	vst v1;
	v8 =	vadd.f32 v59, v8  }
0x9e: {  	v62 =	vld [tilespmem:s25+$0x2B00];
	[tilespmem:s25+$0x2E00] =	vst v1  }
0x9f: {  	v14 =	vld [tilespmem:s25+$0x2D00];
	[tilespmem:s25+$0x2D00] =	vst v1;
	v8 =	vadd.f32 v60, v8  }
0xa0: {  	v63 =	vld [tilespmem:s25+$0x2C00];
	[tilespmem:s25+$0x2C00] =	vst v1  }
0xa1: {  	[tilespmem:s25+$0x2B00] =	vst v1;
	v8 =	vadd.f32 v61, v8  }
0xa2: {  	[tilespmem:s25+$0x2A00] =	vst v1  }
0xa3: {  	[tilespmem:s25+$0x2900] =	vst v1;
	v8 =	vadd.f32 v62, v8  }
0xa4: {  	[tilespmem:s25+$0x2800] =	vst v1  }
0xa5: {  	[tilespmem:s25+$0x2700] =	vst v1;
	v8 =	vadd.f32 v63, v8  }
0xa6: {  	[tilespmem:s25+$0x2600] =	vst v1  }
0xa7: {  	[tilespmem:s25+$0x2500] =	vst v1;
	s22 =	sadd.s32 $0x1, s22;
	v8 =	vadd.f32 v14, v8  }
0xa8: {  	[tilespmem:s25+$0x2400] =	vst v1;
	p0 =	sne.s32 s22, $0x30  }
.Ltmp3:
0xa9: {  	[tilespmem:s25+$0x2300] =	vst v1;
	s24 =	sadd.s32 $0x80, s24;
	v8 =	vadd.f32 v13, v8;
	(pc) =	sbr.rel @p0 .LBB2_4-.Ltmp3, $4  }
0xaa: {  	[tilespmem:s25+$0x2200] =	vst v1;
	s24 =	sand.u32 $0x400, s24  }
0xab: {  	s26 =	sand.u32 $0x70, s26;
	[tilespmem:s25+$0x2100] =	vst v1;
	s23 =	sadd.s32 s24, s23;
	v8 =	vadd.f32 v12, v8  }
0xac: {  	[tilespmem:s25+$0x2000] =	vst v1;
	s23 =	sadd.s32 s26, s23  }
0xad: {  	[tilespmem:v7+s23+$0x0 ss:$0x1] =	vst.idx.msk $0xffff, v8  }
0xae: {  	s20 =	sadd.s32 $0x1, s20  }
0xaf: {  	p0 =	sne.s32 s20, s10  }
.Ltmp4:
0xb0: {  	_ = 	snop;
	(pc) =	sbr.rel @p0 .LBB2_1-.Ltmp4, $4  }
0xb1: {  	[hbm4b:s9+s3] =	stream.linear.scatter [tilespmem:s19], [sflag:$0x1], $0x3000, $0x38;
	[tilespmem:$0x6300] =	vst v63  }
0xb2: {  	_ =	swait.ge [sflag:s12], $0x3000  }
0xb3: {  	[sflag:s12] =	ssyncset.done $0x0  }
0xb4: {  	[sflag:s12] =	ssyncadd.s32 $0xFFFFD000  }
0xb5: {  	_ =	sfence.sel $0x180000  }
0xb6: {  	[bflag:$0x0] =	sbarrier.arrive $0xFFFF  }
0xb7: {  	p0 =	sne.s32 s2, $0x0;
	_ =	strace $0x9000004A  }
0xb8: {  	s0 =	sadd.s32 @!p0 $0x100000, s0;
	[bflag:$0x2] =	sbarrier.arrive $0xFFFF  }
0xb9: {  	[sflag:s0] =	ssyncadd.tile.s32 @!p0 $0x1;
	_ =	shalt  }
.Lfunc_end2:
_tile_overlayer_lowered:
.L_overlay_start_2:
0xba: {  	(tag) =	ssettag $0x2  }
0xbb: {  	s0 =	rddreg [dreg:$0x0];
	s2 =	stileid.u32  }
0xbc: {  	s1 =	rddreg [dreg:$0x1];
	p0 =	sne.s32 s2, $0x0  }
0xbd: {  	s3 =	rddreg [dreg:$0x2];
	[bflag:$0x3] =	sbarrier.arrive $0xFFFF;
	s2 =	simm.s32 @!p0 $0x1C01  }
0xbe: {  	[timem:s3], [sflag:s2] =	dma.local @!p0 [hbm:s0], s1  }
0xbf: {  	s0 =	simm.s32 @!p0 $0x1  }
0xc0: {  	_ =	swait.ge @!p0 [sflag:s0], s1  }
0xc1: {  	s1 =	ssub.s32 @!p0 $0x0, s1;
	[sflag:s0] =	ssyncset.done @!p0 $0x0  }
0xc2: {  	[sflag:s0] =	ssyncadd.s32 @!p0 s1  }
0xc3: {  	[bflag:$0x3] =	sbarrier.arrive $0xFFFF  }
0xc4: {  	_ =	shalt  }

// kernel: sparse-core-data-format-call.cloned.1.call-start
scs
called_computation_lowered:
.L_overlay_start_0:
0x0: {  	s2 =	sld [smem:$0x3FD9]  }
0x1: {  	s3 =	sld [smem:$0x3FFE];
	_ =	sdelay $0x1  }
0x2: {  	s1 =	srdreg.scid  }
0x3: {  	s0 =	sand.u32 $0x1, s1  }
0x4: {  	s16 =	sshll.u32 s0, $0xA;
	s2 =	sadd.s32 s3, s2  }
0x5: {  	s2 =	sadd.s32 s2, s16  }
0x6: {  	[smem:$0x3FC6] =	sst s2  }
0x7: {  	_ = 	snop  }
0x8: {  	s2 =	sld [smem:$0x3FD0];
	_ =	sdelay $0x2  }
0x9: {  	s4 =	simm.s32 $0xA;
	s5 =	simm.s32 $0x10;
	s17 =	sld [smem:$0x3FC9]  }
0xa: {  	[smem:s5], [sflag:s4] =	dma.local [hbm:s2], $0x1  }
0xb: {  	_ =	swait.eq [sflag:s4], $0x1  }
0xc: {  	[sflag:s4] =	ssyncset.done $0x0  }
0xd: {  	[sflag:s4] =	ssyncadd.s32 $0xFFFFFFFF  }
0xe: {  	s18 =	sld [smem:$0x10];
	(tm) =	ssettm $0x1  }
0xf: {  	s19 =	sld [smem:$0x3FFB];
	_ =	sdelay $0x3  }
0x10: {  	_ =	strace s19  }
0x11: {  	s4 =	sld [smem:$0x3FFC];
	_ =	sdelay $0x3  }
0x12: {  	_ =	strace s4  }
0x13: {  	s4 =	sld [smem:$0x3FFD];
	_ =	sdelay $0x3  }
0x14: {  	_ =	strace s4  }
0x15: {  	_ =	strace $0x8FFFFFFF  }
0x16: {  	s20 =	sld [smem:$0x3FDB];
	_ =	sdelay $0x1  }
0x17: {  	s21 =	simm.s32 $_scs_section_size  }
0x18: {  	s6 =	simm.s32 $_size__tile_overlayer_lowered;
	s7 =	simm.s32 $_tile_overlayer_lowered  }
0x19: {  	s24 =	simm.s32 $0x1BFF;
	s23 =	sshll.u32 s7, $0x1;
	s4 =	sadd.s32 s21, s20  }
0x1a: {  	s8 =	simm.s32 $0x0;
	s22 =	sshll.u32 s6, $0x1;
	s6 =	sadd.s32 s23, s4  }
0x1b: {  	[timem:s8], [sflag:s24] =	dma.local [hbm:s6], s22  }
0x1c: {  	_ =	swait.ge [sflag:s24], s22  }
0x1d: {  	s5 =	ssub.s32 $0x0, s22;
	[sflag:s24] =	ssyncset.done $0x0  }
0x1e: {  	[sflag:s24] =	ssyncadd.s32 s5;
	_ =	sdelay $0x1  }
0x1f: {  	s25 =	simm.s32 $0x1B8B  }
0x20: {  	_ =	swait.ge [sflag:s25], $0x1  }
0x21: {  	[sflag:s25] =	ssyncset.done $0x0  }
0x22: {  	s26 =	simm.s32 $0x1B8E;
	[sflag:s25] =	ssyncadd.s32 $0xFFFFFFFF  }
0x23: {  	s27 =	simm.s32 $execute0_lowered;
	[smem:$0x3FD2] =	sst s26  }
0x24: {  	s5 =	sshll.u32 s27, $0x1;
	_ =	strace $0x80000046;
	[dreg:$0x1] =	wrdreg $0xFFFFFFFF  }
0x25: {  	s28 =	simm.s32 $_size_execute0_lowered;
	s4 =	sadd.s32 s4, s5;
	[dreg:$0x0] =	wrdreg $0x0  }
0x26: {  	s5 =	sshll.u32 s28, $0x1;
	[dreg:$0x2] =	wrdreg s4  }
0x27: {  	[dreg:$0x3] =	wrdreg s5  }
0x28: {  	[dreg:$0x4] =	wrdreg $0xC0  }
0x29: {  	_ =	task [dreg:s8], $0x5FFFF  }
0x2a: {  	[dreg:$0x1] =	wrdreg $0xFFFFFFFF  }
0x2b: {  	[dreg:$0x0] =	wrdreg $0x60  }
0x2c: {  	[dreg:$0x2] =	wrdreg s17  }
0x2d: {  	[dreg:$0x3] =	wrdreg s18  }
0x2e: {  	[dreg:$0x4] =	wrdreg $0x9  }
0x2f: {  	_ =	task.clear_ibuf [dreg:s8], $0x5FFFF;
	_ =	strace $0x90000046  }
0x30: {  	s29 =	simm.s32 $0x9;
	_ =	strace $0x80000048  }
0x31: {  	_ =	swait.ge [sflag:s29], $0x1  }
0x32: {  	[sflag:s29] =	ssyncadd.s32 $0xFFFFFFFF  }
0x33: {  	_ =	strace $0x90000048  }
0x34: {  	_ =	sfence  }
0x35: {  	s30 =	sld [smem:$0x0];
	_ =	sdelay $0x2  }
0x36: {  	s31 =	sshll.u32 s1, $0xD;
	s1 =	sshrl.u32 s1, $0x2  }
0x37: {  	s3 =	sand.u32 $0x4000, s31;
	s1 =	sadd.s32 s1, s30  }
0x38: {  	s0 =	sor.u32 s3, s0;
	s1 =	sshll.u32 s1, $0x11  }
0x39: {  	s0 =	sor.u32 s1, s0  }
0x3a: {  	s0 =	sadd.s32 $0x8F2B, s0  }
0x3b: {  	[sflag:s0] =	ssyncadd.remote.s32 $0x1  }
0x3c: {  	_ =	sfence.sel $0xFFFF  }
0x3d: {  	[dreg:$0x0] =	wrdreg $0xFFFFFFFF;
	(pc) =	sbr.abs _section_cstart, $3  }
0x3e: {  	[dreg:$0x1] =	wrdreg $0xFFFFFFFF  }
0x3f: {  	_ =	task.clear_ibuf [dreg:s8], $0x2FFFF;
	_ =	strace $0x9FFFFFFF  }
0x40: {  	(tm) =	ssettm $0x7FFFFFFF  }
0x41: {  	_ =	shalt  }
tec
execute0_lowered:
.L_overlay_start_1:
0x0: {  	(tag) =	ssettag $0x1  }
0x1: {  	s0 =	stileid.u32  }
0x2: {  	s1 =	srdreg.scid;
	s3 =	rddreg [dreg:$0x0]  }
0x3: {  	s5 =	simm.s32 $0x1;
	s2 =	sshll.u32 s0, $0x4;
	s1 =	sshll.u32 s1, $0x8  }
0x4: {  	s8 =	simm.s32 $0x2;
	s16 =	simm.s32 $0x0;
	s1 =	sor.u32 s2, s1  }
0x5: {  	s9 =	simm.s32 $0x1000;
	s10 =	simm.s32 $0x0;
	s2 =	sand.u32 $0x180, s1  }
0x6: {  	s17 =	simm.s32 $0x0;
	s19 =	simm.s32 $0x0;
	s1 =	ssub.s32 $0x200, s2  }
0x7: {  	s18 =	simm.s32 $0x0;
	s11 =	simm.s32 $0x0;
	s4 =	sand.u32 $0x180, s1  }
0x8: {  	s14 =	simm.s32 $0x0;
	s6 =	sshrl.u32 s1, $0x9;
	p0 =	sne.s32 s4, $0x0  }
.Ltmp0:
0x9: {  	s1 =	rddreg [dreg:$0x2];
	s5 =	simm.s32 @!p0 $0x0;
	(pc) =	sbr.rel .LBB1_1-.Ltmp0, $4  }
0xa: {  	s7 =	sand.u32 $0x7, s0;
	s4 =	rddreg [dreg:$0x1];
	s6 =	sadd.s32 s5, s6  }
0xb: {  	_ =	strace $0x80000047;
	s5 =	simm.s32 $0x1;
	s6 =	smul.u32 $0x18, s6  }
0xc: {  	s15 =	simm.s32 $0x0;
	s13 =	smov.u32 s7;
	[sflag:s5] =	ssyncpa.u1 $0x0  }
0xd: {  	s12 =	smov.u32 s2;
	[sflag:s8] =	ssyncpa.u1 $0x0;
	s8 =	sor.u32 $0x1, s6  }
.LBB1_4:
0xe: {  	_ =	sdelay $0x3  }
0xf: {  	[tilespmem:v0+s22+$0xFFFFFFA0 ss:$0x1] =	vst.idx.msk $0xffff, v6  }
0x10: {  	v56 =	vld.idx.msk [tilespmem:v1+s21+$0x30 ss:$0x1], $0xffff;
	[tilespmem:v0+s22+$0xFFFFFFB0 ss:$0x1] =	vst.idx.msk $0xffff, v4  }
0x11: {  	v57 =	vld.idx.msk [tilespmem:v1+s21+$0xFFFFFFC0 ss:$0x1], $0xffff;
	[tilespmem:v0+s22+$0xFFFFFFC0 ss:$0x1] =	vst.idx.msk $0xffff, v2  }
0x12: {  	v58 =	vld.idx.msk [tilespmem:v1+s21+$0xFFFFFFD0 ss:$0x1], $0xffff;
	[tilespmem:v0+s22+$0xFFFFFFD0 ss:$0x1] =	vst.idx.msk $0xffff, v3  }
0x13: {  	v59 =	vld.idx.msk [tilespmem:v1+s21+$0xFFFFFFE0 ss:$0x1], $0xffff;
	[tilespmem:v0+s22+$0xFFFFFFE0 ss:$0x1] =	vst.idx.msk $0xffff, v5  }
0x14: {  	v60 =	vld.idx.msk [tilespmem:v1+s21+$0xFFFFFFF0 ss:$0x1], $0xffff;
	[tilespmem:v0+s22+$0xFFFFFFF0 ss:$0x1] =	vst.idx.msk $0xffff, v7  }
0x15: {  	v61 =	vld.idx.msk [tilespmem:v1+s21+$0x0 ss:$0x1], $0xffff;
	[tilespmem:v0+s21+$0x0 ss:$0x1] =	vst.idx.msk $0xffff, v56  }
0x16: {  	v62 =	vld.idx.msk [tilespmem:v1+s21+$0x10 ss:$0x1], $0xffff;
	[tilespmem:v0+s21+$0xFFFFFF90 ss:$0x1] =	vst.idx.msk $0xffff, v57  }
0x17: {  	s19 =	sshll.u32 s19, $0x7;
	v63 =	vld.idx.msk [tilespmem:v1+s21+$0x20 ss:$0x1], $0xffff;
	s29 =	sand.u32 $0x78, s16;
	[tilespmem:v0+s21+$0xFFFFFFA0 ss:$0x1] =	vst.idx.msk $0xffff, v58  }
0x18: {  	s30 =	sshll.u32 s16, $0x3;
	s18 =	sshll.u32 s18, $0x12;
	s19 =	sand.u32 $0x380, s19;
	[tilespmem:v0+s21+$0xFFFFFFB0 ss:$0x1] =	vst.idx.msk $0xffff, v59  }
0x19: {  	s17 =	sshll.u32 s17, $0x9;
	s22 =	sand.u32 $0xC00, s30;
	s19 =	sor.u32 s29, s19;
	[tilespmem:v0+s21+$0xFFFFFFC0 ss:$0x1] =	vst.idx.msk $0xffff, v60  }
0x1a: {  	s31 =	sand.u32 $0x7, s16;
	s18 =	sadd.s32 s4, s18;
	s19 =	sor.u32 s22, s19;
	[tilespmem:v0+s21+$0xFFFFFFD0 ss:$0x1] =	vst.idx.msk $0xffff, v61  }
0x1b: {  	s16 =	sshll.u32 s31, $0x12;
	s17 =	sadd.s32 s17, s18;
	s19 =	sshrl.u32 s19, $0x3;
	[tilespmem:v0+s21+$0xFFFFFFE0 ss:$0x1] =	vst.idx.msk $0xffff, v62  }
0x1c: {  	s16 =	sor.u32 $0x80, s16;
	[tilespmem:v0+s21+$0xFFFFFFF0 ss:$0x1] =	vst.idx.msk $0xffff, v63;
	s17 =	sadd.s32 s19, s17  }
0x1d: {  	[hbm4b:s17+s16] =	stream.strided.scatter [tilespmem:s20], [sflag:$0x2], $0x4000, s9, s16, $0x38;
	[tilespmem:$0x10000] =	vst v63  }
.LBB1_5:
0x1e: {  	s20 =	sadd.s32 $0x80, s11  }
0x1f: {  	s16 =	sadd.s32 $0x200, s12;
	s21 =	smov.u32 s12;
	p1 =	sgt.s32 s20, $0x1FF  }
0x20: {  	s21 =	smov.u32 @p1 s16  }
0x21: {  	s22 =	smov.u32 s13;
	s16 =	sadd.s32 $0x8, s13;
	p2 =	sgt.s32 s21, $0x1FF  }
0x22: {  	s22 =	smov.u32 @p2 s16  }
0x23: {  	s16 =	simm.s32 $0x1;
	p3 =	sgt.s32 s22, $0x7  }
0x24: {  	s16 =	simm.s32 @!p3 $0x0  }
0x25: {  	p0 =	slt.u32 s15, $0x2;
	s24 =	sadd.s32 s16, s14  }
0x26: {  	s17 =	smov.u32 s12;
	s20 =	simm.s32 @p1 $0x0;
	p1 =	sgt.s32 s24, $0x5  }
0x27: {  	s23 =	simm.s32 @!p0 $0x2;
	s24 =	simm.s32 @p1 $0x0;
	p1 =	sne.s32 s15, s8  }
.Ltmp1:
0x28: {  	s19 =	smov.u32 s13;
	_ =	swait.ge @!p0 [sflag:s23], $0x4000;
	(pc) =	sbr.rel @!p1 .LBB1_6-.Ltmp1, $4  }
0x29: {  	s18 =	smov.u32 s14;
	[sflag:s23] =	ssyncset.done @!p0 $0x0;
	s21 =	smov.u32 @p2 s2  }
0x2a: {  	s10 =	sadd.s32 $0x4000, s10;
	[sflag:s23] =	ssyncadd.s32 @!p0 $0xFFFFC000;
	s12 =	smov.u32 s21  }
0x2b: {  	s22 =	smov.u32 @p3 s7;
	s16 =	smov.u32 s11;
	s11 =	smov.u32 s20  }
0x2c: {  	s13 =	smov.u32 s22;
	s15 =	sadd.s32 $0x1, s15;
	s14 =	smov.u32 s24  }
.LBB1_1:
0x2d: {  	p0 =	sge.u32 s15, s6;
	s31 =	sadd.s32 $0xFFFFFFFF, s15  }
0x2e: {  	s20 =	sxor.u32 @!p0 $0xFFFFFFFF, s15;
	s21 =	sand.u32 @!p0 $0x78, s11;
	s22 =	sshll.u32 @!p0 s12, $0x9  }
0x2f: {  	s23 =	sshll.u32 @!p0 s11, $0x3;
	s24 =	sshll.u32 @!p0 s12, $0x7;
	s20 =	sshll.u32 @!p0 s20, $0xE  }
0x30: {  	s22 =	sand.u32 @!p0 $0x3F000, s22;
	s23 =	sand.u32 @!p0 $0x3FC00, s23;
	s20 =	sand.u32 @!p0 $0x4000, s20  }
0x31: {  	s22 =	sadd.s32 @!p0 s22, s23;
	s23 =	sand.u32 @!p0 $0x200, s24;
	s24 =	sand.u32 @!p0 $0x180, s24  }
0x32: {  	s22 =	sor.u32 @!p0 s23, s22;
	s21 =	sor.u32 @!p0 s21, s24;
	s23 =	sshll.u32 @!p0 s14, $0x12  }
0x33: {  	s24 =	sshll.u32 @!p0 s13, $0xF;
	s22 =	sshrl.u32 @!p0 s22, $0x3;
	s23 =	sadd.s32 @!p0 s3, s23  }
0x34: {  	s21 =	sshrl.u32 @!p0 s21, $0x3;
	s23 =	sadd.s32 @!p0 s24, s23;
	s24 =	sand.u32 @!p0 $0x7, s11  }
0x35: {  	s22 =	sand.u32 @!p0 $0x7FC0, s22;
	s21 =	sadd.s32 @!p0 s21, s23;
	s23 =	sshll.u32 @!p0 s24, $0x12  }
0x36: {  	s21 =	sadd.s32 @!p0 s22, s21;
	s22 =	sor.u32 @!p0 $0x400, s23;
	s23 =	simm.s32 @!p0 $0x1000  }
0x37: {  	[tilespmem:s20], [sflag:$0x1] =	stream.strided.gather @!p0 [hbm4b:s21+s22], $0x4000, s23, s22, $0x38;
	[tilespmem:$0x10000] =	vst v63  }
0x38: {  	p0 =	sge.u32 s31, s6  }
.Ltmp2:
0x39: {  	_ = 	snop;
	(pc) =	sbr.rel @p0 .LBB1_5-.Ltmp2, $1  }
0x3a: {  	_ =	sdelay $0x3  }
0x3b: {  	s20 =	sand.u32 $0x4000, s10  }
0x3c: {  	s21 =	sor.u32 $0x40, s20  }
0x3d: {  	v1 =	vmov s21;
	_ =	sdelay $0x1  }
0x3e: {  	_ =	swait.ge [sflag:s5], $0x4000  }
0x3f: {  	[sflag:s5] =	ssyncset.done $0x0  }
0x40: {  	s22 =	simm.s32 $0x0;
	[sflag:s5] =	ssyncadd.s32 $0xFFFFC000  }
0x41: {  	s20 =	sor.u32 $0x8070, s20;
	v7 =	vld.idx.msk [tilespmem:v1+s22+$0x30 ss:$0x1], $0xffff  }
0x42: {  	v0 =	vmov s20;
	v8 =	vld.idx.msk [tilespmem:v1+s22+$0xFFFFFFC0 ss:$0x1], $0xffff  }
0x43: {  	v6 =	vld.idx.msk [tilespmem:v1+s22+$0xFFFFFFD0 ss:$0x1], $0xffff  }
0x44: {  	v4 =	vld.idx.msk [tilespmem:v1+s22+$0xFFFFFFE0 ss:$0x1], $0xffff  }
0x45: {  	v2 =	vld.idx.msk [tilespmem:v1+s22+$0xFFFFFFF0 ss:$0x1], $0xffff  }
0x46: {  	s31 =	sshll.u32 s15, $0xE;
	v3 =	vld.idx.msk [tilespmem:v1+s22+$0x0 ss:$0x1], $0xffff  }
0x47: {  	s20 =	sand.u32 $0x4000, s31;
	v5 =	vld.idx.msk [tilespmem:v1+s22+$0x10 ss:$0x1], $0xffff;
	[tilespmem:v0+s22+$0x0 ss:$0x1] =	vst.idx.msk $0xffff, v7  }
0x48: {  	s23 =	simm.s32 $0x400;
	s21 =	simm.s32 $0x80;
	s20 =	sor.u32 $0x8000, s20;
	[tilespmem:v0+s22+$0xFFFFFF90 ss:$0x1] =	vst.idx.msk $0xffff, v8;
	v7 =	vld.idx.msk [tilespmem:v1+s22+$0x20 ss:$0x1], $0xffff  }
.LBB1_3:
0x49: {  	p0 =	sne.s32 s23, $0xFE00;
	v8 =	vld.idx.msk [tilespmem:v1+s21+$0x30 ss:$0x1], $0xffff;
	[tilespmem:v0+s22+$0xFFFFFFA0 ss:$0x1] =	vst.idx.msk $0xffff, v6  }
0x4a: {  	v9 =	vld.idx.msk [tilespmem:v1+s21+$0xFFFFFFC0 ss:$0x1], $0xffff;
	[tilespmem:v0+s22+$0xFFFFFFB0 ss:$0x1] =	vst.idx.msk $0xffff, v4  }
0x4b: {  	v6 =	vld.idx.msk [tilespmem:v1+s21+$0xFFFFFFD0 ss:$0x1], $0xffff;
	[tilespmem:v0+s22+$0xFFFFFFC0 ss:$0x1] =	vst.idx.msk $0xffff, v2  }
.Ltmp3:
0x4c: {  	v4 =	vld.idx.msk [tilespmem:v1+s21+$0xFFFFFFE0 ss:$0x1], $0xffff;
	[tilespmem:v0+s22+$0xFFFFFFD0 ss:$0x1] =	vst.idx.msk $0xffff, v3;
	(pc) =	sbr.rel @p0 .LBB1_3-.Ltmp3, $4  }
0x4d: {  	v2 =	vld.idx.msk [tilespmem:v1+s21+$0xFFFFFFF0 ss:$0x1], $0xffff;
	[tilespmem:v0+s22+$0xFFFFFFE0 ss:$0x1] =	vst.idx.msk $0xffff, v5  }
0x4e: {  	v3 =	vld.idx.msk [tilespmem:v1+s21+$0x0 ss:$0x1], $0xffff;
	[tilespmem:v0+s22+$0xFFFFFFF0 ss:$0x1] =	vst.idx.msk $0xffff, v7;
	s22 =	smov.u32 s21  }
0x4f: {  	v5 =	vld.idx.msk [tilespmem:v1+s22+$0x10 ss:$0x1], $0xffff;
	[tilespmem:v0+s22+$0x0 ss:$0x1] =	vst.idx.msk $0xffff, v8  }
0x50: {  	s21 =	sshra.s32 s23, $0x2;
	s23 =	sadd.s32 $0x200, s23;
	[tilespmem:v0+s22+$0xFFFFFF90 ss:$0x1] =	vst.idx.msk $0xffff, v9;
	v7 =	vld.idx.msk [tilespmem:v1+s22+$0x20 ss:$0x1], $0xffff  }
.Ltmp4:
0x51: {  	_ = 	snop;
	(pc) =	sbr.rel .LBB1_4-.Ltmp4, $1  }
0x52: {  	_ =	sdelay $0x3  }
.LBB1_6:
0x53: {  	_ =	sfence.sel $0x180000  }
0x54: {  	s2 =	simm.s32 $0x1;
	[bflag:$0x0] =	sbarrier.arrive $0xFFFF  }
0x55: {  	s31 =	simm.s32 $0x2;
	[sflag:s2] =	ssyncpa.u1 $0x1  }
0x56: {  	[sflag:s31] =	ssyncpa.u1 $0x1  }
0x57: {  	p0 =	sne.s32 s0, $0x0;
	_ =	strace $0x90000047  }
0x58: {  	s0 =	sadd.s32 @!p0 $0x100000, s1;
	[bflag:$0x2] =	sbarrier.arrive $0xFFFF  }
0x59: {  	[sflag:s0] =	ssyncadd.tile.s32 @!p0 $0x1;
	_ =	shalt  }
.Lfunc_end1:
_tile_overlayer_lowered:
.L_overlay_start_2:
0x5a: {  	(tag) =	ssettag $0x2  }
0x5b: {  	s0 =	rddreg [dreg:$0x0];
	s2 =	stileid.u32  }
0x5c: {  	s1 =	rddreg [dreg:$0x1];
	p0 =	sne.s32 s2, $0x0  }
0x5d: {  	s3 =	rddreg [dreg:$0x2];
	[bflag:$0x3] =	sbarrier.arrive $0xFFFF;
	s2 =	simm.s32 @!p0 $0x1C01  }
0x5e: {  	[timem:s3], [sflag:s2] =	dma.local @!p0 [hbm:s0], s1  }
0x5f: {  	s0 =	simm.s32 @!p0 $0x1  }
0x60: {  	_ =	swait.ge @!p0 [sflag:s0], s1  }
0x61: {  	s1 =	ssub.s32 @!p0 $0x0, s1;
	[sflag:s0] =	ssyncset.done @!p0 $0x0  }
0x62: {  	[sflag:s0] =	ssyncadd.s32 @!p0 s1  }
0x63: {  	[bflag:$0x3] =	sbarrier.arrive $0xFFFF  }
0x64: {  	_ =	shalt  }

</sc_bundles>
